<compile_context>
chip_gen: v7x
topology: tpu7x:2x2x1
jax: 0.10.2.dev20260603
libtpu: 0.0.44.dev20260713+nightly
codegen_flags: <defaults>
</compile_context>

<pallas_src>
import functools

import jax
import jax.numpy as jnp
import numpy as np
from jax import lax
from jax.experimental import pallas as pl
from jax.experimental.pallas import tpu as pltpu
from jax.experimental.pallas import tpu_sc as plsc

_VOCAB = 100000
_EMBED = 128
_MAXLEN = 512
_B = 1024
_L = 200

_NC = 2
_NS = 16
_NW = _NC * _NS
_ROWS = _B * _L
_RPW = _ROWS // _NW
_CHUNK = 200
_NCHUNK = _RPW // _CHUNK
_NBUF = 4
_NROUND = _NCHUNK // _NBUF


def _pe_table() -> jnp.ndarray:
    pe = np.zeros((_MAXLEN, _EMBED), dtype=np.float32)
    position = np.arange(0, _MAXLEN)[:, np.newaxis]
    div_term = np.exp(np.arange(0, _EMBED, 2) * -(np.log(10000.0) / _EMBED))
    pe[:, 0::2] = np.sin(position * div_term)
    pe[:, 1::2] = np.cos(position * div_term)
    return jnp.asarray(pe[:_L])


_MESH = plsc.VectorSubcoreMesh(core_axis_name="c", subcore_axis_name="s")


@functools.partial(
    pl.kernel,
    out_type=jax.ShapeDtypeStruct((_ROWS, _EMBED), jnp.float32),
    mesh=_MESH,
    scratch_types=[
        pltpu.VMEM((_RPW,), jnp.int32),
        pltpu.VMEM((_NBUF, _CHUNK, _EMBED), jnp.float32),
        pltpu.VMEM_SHARED((_L, _EMBED), jnp.float32),
        [pltpu.SemaphoreType.DMA] * _NBUF,
        [pltpu.SemaphoreType.DMA] * _NBUF,
    ],
)
def _embed_lookup(x_hbm, w_hbm, pe_hbm, out_hbm, idx_v, buf, pe_sh,
                  gsems, wsems):
    wid = lax.axis_index("s") * _NC + lax.axis_index("c")
    base = wid * _RPW

    @pl.when(lax.axis_index("s") == 0)
    def _stage_pe():
        pltpu.sync_copy(pe_hbm, pe_sh)

    pltpu.sync_copy(x_hbm.at[pl.ds(base, _RPW)], idx_v)
    plsc.subcore_barrier()

    def idx_at(k):
        return idx_v.at[pl.ds(k * _CHUNK, _CHUNK)]

    for b in range(_NBUF):
        pltpu.sync_copy(pe_sh, buf.at[b])
        pltpu.async_copy(w_hbm.at[idx_at(b)], buf.at[b], gsems[b], add=True)

    def round_body(t, carry):
        for b in range(_NBUF):
            k = _NBUF * t + b
            rbase = base + k * _CHUNK
            pltpu.make_async_copy(w_hbm.at[idx_at(k)], buf.at[b],
                                  gsems[b]).wait()
            pltpu.async_copy(buf.at[b], out_hbm.at[pl.ds(rbase, _CHUNK)],
                             wsems[b])

            bj = (b - 1) % _NBUF
            j = k - 1

            @pl.when((k > 0) & (j + _NBUF < _NCHUNK))
            def _recycle_prev():
                jbase = base + j * _CHUNK
                pltpu.make_async_copy(buf.at[bj],
                                      out_hbm.at[pl.ds(jbase, _CHUNK)],
                                      wsems[bj]).wait()
                pltpu.sync_copy(pe_sh, buf.at[bj])
                pltpu.async_copy(w_hbm.at[idx_at(j + _NBUF)], buf.at[bj],
                                 gsems[bj], add=True)
        return carry

    lax.fori_loop(0, _NROUND, round_body, 0)
    for b in range(_NBUF):
        last = base + (_NCHUNK - _NBUF + b) * _CHUNK
        pltpu.make_async_copy(buf.at[b], out_hbm.at[pl.ds(last, _CHUNK)],
                              wsems[b]).wait()


def kernel(x, W):
    out = _embed_lookup(x.reshape(-1), W, _pe_table())
    return out.reshape(_B, _L, _EMBED)

# --- scband reference (transcript-rebuilt; emitter-appended) ---
"""Pipeline reference for scband-embedding-fixed-9208409883126 (READ-ONLY COPY).

The authoritative reference and input builder live on the scoring server;
editing this copy changes nothing except your own understanding.
"""

import jax, jax.numpy as jnp
import numpy as np

VOCAB = 100000
EMBED = 128
MAXLEN = 512
B = 1024
L = 200


def make_pe():
    pe = np.zeros((MAXLEN, EMBED), dtype=np.float32)
    position = np.arange(0, MAXLEN)[:, np.newaxis]
    div_term = np.exp(np.arange(0, EMBED, 2) * -(np.log(10000.0) / EMBED))
    pe[:, 0::2] = np.sin(position * div_term)
    pe[:, 1::2] = np.cos(position * div_term)
    return jnp.asarray(pe[np.newaxis, :, :])


def setup_inputs(seed: int = 0) -> dict:
    key = jax.random.key(seed)
    k1, k2 = jax.random.split(key)
    x = jax.random.randint(k1, (B, L), 0, VOCAB, dtype=jnp.int32)
    # learned word-embedding table (flax nn.Embed param), small-variance init
    W = jax.random.normal(k2, (VOCAB, EMBED), dtype=jnp.float32) * 0.02
    return {"x": x, "W": W}


def reference(x, W):
    pe = make_pe()
    word_embedding = jnp.take(W, x, axis=0)
    positional_embedding = pe[:, 0 : x.shape[1], :]
    return word_embedding + positional_embedding

if __name__ == "__main__":
    import jax
    _d = setup_inputs()
    print(jax.jit(kernel)(*tuple(_d.values())))

</pallas_src>

<mosaic_0001>
#map = affine_map<(d0, d1) -> (0)>
#map1 = affine_map<(d0, d1) -> (0, 0)>
module attributes {stable_mosaic.version = 14 : i64} {
  func.func @_embed_lookup(%arg0: i32, %arg1: i32, %arg2: memref<204800xi32, #tpu.memory_space<hbm>>, %arg3: memref<100000x128xf32, #tpu.memory_space<hbm>>, %arg4: memref<200x128xf32, #tpu.memory_space<hbm>>, %arg5: memref<204800x128xf32, #tpu.memory_space<hbm>>, %arg6: memref<6400xi32, #tpu.memory_space<vmem>>, %arg7: memref<4x200x128xf32, #tpu.memory_space<vmem>>, %arg8: memref<200x128xf32, #tpu.memory_space<vmem_shared>>, %arg9: memref<!tpu.dma_semaphore, #tpu.memory_space<semaphore_mem>>, %arg10: memref<!tpu.dma_semaphore, #tpu.memory_space<semaphore_mem>>, %arg11: memref<!tpu.dma_semaphore, #tpu.memory_space<semaphore_mem>>, %arg12: memref<!tpu.dma_semaphore, #tpu.memory_space<semaphore_mem>>, %arg13: memref<!tpu.dma_semaphore, #tpu.memory_space<semaphore_mem>>, %arg14: memref<!tpu.dma_semaphore, #tpu.memory_space<semaphore_mem>>, %arg15: memref<!tpu.dma_semaphore, #tpu.memory_space<semaphore_mem>>, %arg16: memref<!tpu.dma_semaphore, #tpu.memory_space<semaphore_mem>>) attributes {dimension_semantics = [#tpu.dimension_semantics<core_parallel>, #tpu.dimension_semantics<subcore_parallel>], iteration_bounds = array<i64: 2, 16>, scalar_prefetch = 0 : i64, scratch_operands = 11 : i64, tpu.core_type = #tpu.core_type<sc_vector_subcore>, window_params = [{transform_indices = #map}, {transform_indices = #map1}, {transform_indices = #map1}, {transform_indices = #map1}]} {
    %mul3A = arith.constant 2 : i32
    %mul3A_0 = arith.muli %arg1, %mul3A : i32
    %add3A = arith.addi %mul3A_0, %arg0 : i32
    %mul3A_1 = arith.constant 6400 : i32
    %mul3A_2 = arith.muli %add3A, %mul3A_1 : i32
    %eq3A = arith.constant 0 : i32
    %eq3A_3 = arith.cmpi eq, %arg1, %eq3A : i32
    %convert_element_type3A = arith.extui %eq3A_3 : i1 to i32
    %cond3A = arith.constant 0 : i32
    %cond3A_4 = arith.cmpi ne, %convert_element_type3A, %cond3A : i32
    scf.if %cond3A_4 {
      "tpu.region"() ({
        %run_scoped3A_111 = tpu.sem_alloc : memref<!tpu.dma_semaphore, #tpu.memory_space<semaphore_mem>>
        tpu.enqueue_dma source(%arg4 : memref<200x128xf32, #tpu.memory_space<hbm>>) target(%arg8 : memref<200x128xf32, #tpu.memory_space<vmem_shared>>) target_semaphore(%run_scoped3A_111 : memref<!tpu.dma_semaphore, #tpu.memory_space<semaphore_mem>>)
        tpu.wait_dma2 semaphore(%run_scoped3A_111 : memref<!tpu.dma_semaphore, #tpu.memory_space<semaphore_mem>>) src(%arg4 : memref<200x128xf32, #tpu.memory_space<hbm>>) dst(%arg8 : memref<200x128xf32, #tpu.memory_space<vmem_shared>>)
        tpu.yield
      }) : () -> ()
    } else {
    }
    "tpu.region"() ({
      %run_scoped3A_111 = tpu.sem_alloc : memref<!tpu.dma_semaphore, #tpu.memory_space<semaphore_mem>>
      %dma_start3A_112 = tpu.memref_slice %arg2[%mul3A_2] : memref<204800xi32, #tpu.memory_space<hbm>> -> memref<6400xi32, #tpu.memory_space<hbm>>
      %dma_start3A_113 = tpu.memref_slice %arg2[%mul3A_2] : memref<204800xi32, #tpu.memory_space<hbm>> -> memref<6400xi32, #tpu.memory_space<hbm>>
      tpu.enqueue_dma source(%dma_start3A_113 : memref<6400xi32, #tpu.memory_space<hbm>>) target(%arg6 : memref<6400xi32, #tpu.memory_space<vmem>>) target_semaphore(%run_scoped3A_111 : memref<!tpu.dma_semaphore, #tpu.memory_space<semaphore_mem>>)
      %dma_wait3A_114 = tpu.memref_slice %arg2[%mul3A_2] : memref<204800xi32, #tpu.memory_space<hbm>> -> memref<6400xi32, #tpu.memory_space<hbm>>
      %dma_wait3A_115 = tpu.memref_slice %arg2[%mul3A_2] : memref<204800xi32, #tpu.memory_space<hbm>> -> memref<6400xi32, #tpu.memory_space<hbm>>
      tpu.wait_dma2 semaphore(%run_scoped3A_111 : memref<!tpu.dma_semaphore, #tpu.memory_space<semaphore_mem>>) src(%dma_wait3A_115 : memref<6400xi32, #tpu.memory_space<hbm>>) dst(%arg6 : memref<6400xi32, #tpu.memory_space<vmem>>)
      tpu.yield
    }) : () -> ()
    %barrier3A = arith.constant 0 : index
    tpu.barrier barrier_id(%barrier3A)
    %run_scoped3A = arith.constant 0 : i32
    "tpu.region"() ({
      %run_scoped3A_111 = tpu.sem_alloc : memref<!tpu.dma_semaphore, #tpu.memory_space<semaphore_mem>>
      %dma_start3A_112 = arith.constant 0 : i32
      %dma_start3A_113 = arith.constant 0 : i32
      %dma_start3A_114 = tpu.memref_slice %arg7[%run_scoped3A, %dma_start3A_112, %dma_start3A_113] : memref<4x200x128xf32, #tpu.memory_space<vmem>> -> memref<1x200x128xf32, #tpu.memory_space<vmem>>
      %dma_start3A_115 = tpu.memref_squeeze %dma_start3A_114 : memref<1x200x128xf32, #tpu.memory_space<vmem>> -> memref<200x128xf32, #tpu.memory_space<vmem>>
      %dma_start3A_116 = arith.constant 0 : i32
      %dma_start3A_117 = arith.constant 0 : i32
      %dma_start3A_118 = tpu.memref_slice %arg7[%run_scoped3A, %dma_start3A_116, %dma_start3A_117] : memref<4x200x128xf32, #tpu.memory_space<vmem>> -> memref<1x200x128xf32, #tpu.memory_space<vmem>>
      %dma_start3A_119 = tpu.memref_squeeze %dma_start3A_118 : memref<1x200x128xf32, #tpu.memory_space<vmem>> -> memref<200x128xf32, #tpu.memory_space<vmem>>
      tpu.enqueue_dma source(%arg8 : memref<200x128xf32, #tpu.memory_space<vmem_shared>>) target(%dma_start3A_119 : memref<200x128xf32, #tpu.memory_space<vmem>>) target_semaphore(%run_scoped3A_111 : memref<!tpu.dma_semaphore, #tpu.memory_space<semaphore_mem>>)
      %dma_wait3A_120 = arith.constant 0 : i32
      %dma_wait3A_121 = arith.constant 0 : i32
      %dma_wait3A_122 = tpu.memref_slice %arg7[%run_scoped3A, %dma_wait3A_120, %dma_wait3A_121] : memref<4x200x128xf32, #tpu.memory_space<vmem>> -> memref<1x200x128xf32, #tpu.memory_space<vmem>>
      %dma_wait3A_123 = tpu.memref_squeeze %dma_wait3A_122 : memref<1x200x128xf32, #tpu.memory_space<vmem>> -> memref<200x128xf32, #tpu.memory_space<vmem>>
      %dma_wait3A_124 = arith.constant 0 : i32
      %dma_wait3A_125 = arith.constant 0 : i32
      %dma_wait3A_126 = tpu.memref_slice %arg7[%run_scoped3A, %dma_wait3A_124, %dma_wait3A_125] : memref<4x200x128xf32, #tpu.memory_space<vmem>> -> memref<1x200x128xf32, #tpu.memory_space<vmem>>
      %dma_wait3A_127 = tpu.memref_squeeze %dma_wait3A_126 : memref<1x200x128xf32, #tpu.memory_space<vmem>> -> memref<200x128xf32, #tpu.memory_space<vmem>>
      tpu.wait_dma2 semaphore(%run_scoped3A_111 : memref<!tpu.dma_semaphore, #tpu.memory_space<semaphore_mem>>) src(%arg8 : memref<200x128xf32, #tpu.memory_space<vmem_shared>>) dst(%dma_wait3A_127 : memref<200x128xf32, #tpu.memory_space<vmem>>)
      tpu.yield
    }) : () -> ()
    %dma_start3A = arith.constant 0 : i32
    %dma_start3A_5 = arith.constant 0 : i32
    %dma_start3A_6 = arith.constant 0 : i32
    %dma_start3A_7 = tpu.memref_slice %arg7[%dma_start3A, %dma_start3A_5, %dma_start3A_6] : memref<4x200x128xf32, #tpu.memory_space<vmem>> -> memref<1x200x128xf32, #tpu.memory_space<vmem>>
    %dma_start3A_8 = tpu.memref_squeeze %dma_start3A_7 : memref<1x200x128xf32, #tpu.memory_space<vmem>> -> memref<200x128xf32, #tpu.memory_space<vmem>>
    %dma_start3A_9 = arith.constant 0 : i32
    %dma_start3A_10 = tpu.memref_slice %arg6[%dma_start3A_9] : memref<6400xi32, #tpu.memory_space<vmem>> -> memref<200xi32, #tpu.memory_space<vmem>>
    %dma_start3A_11 = arith.constant 0 : i32
    %dma_start3A_12 = arith.constant 0 : i32
    %dma_start3A_13 = tpu.memref_slice %arg3[%dma_start3A_11, %dma_start3A_12] : memref<100000x128xf32, #tpu.memory_space<hbm>> -> memref<100000x128xf32, #tpu.memory_space<hbm>>
    tpu.enqueue_indirect_dma source(%dma_start3A_13 : memref<100000x128xf32, #tpu.memory_space<hbm>>) target(%dma_start3A_8 : memref<200x128xf32, #tpu.memory_space<vmem>>) offsets(%dma_start3A_10 : memref<200xi32, #tpu.memory_space<vmem>>) semaphore(%arg9 : memref<!tpu.dma_semaphore, #tpu.memory_space<semaphore_mem>>) {add = true}
    %run_scoped3A_14 = arith.constant 1 : i32
    "tpu.region"() ({
      %run_scoped3A_111 = tpu.sem_alloc : memref<!tpu.dma_semaphore, #tpu.memory_space<semaphore_mem>>
      %dma_start3A_112 = arith.constant 0 : i32
      %dma_start3A_113 = arith.constant 0 : i32
      %dma_start3A_114 = tpu.memref_slice %arg7[%run_scoped3A_14, %dma_start3A_112, %dma_start3A_113] : memref<4x200x128xf32, #tpu.memory_space<vmem>> -> memref<1x200x128xf32, #tpu.memory_space<vmem>>
      %dma_start3A_115 = tpu.memref_squeeze %dma_start3A_114 : memref<1x200x128xf32, #tpu.memory_space<vmem>> -> memref<200x128xf32, #tpu.memory_space<vmem>>
      %dma_start3A_116 = arith.constant 0 : i32
      %dma_start3A_117 = arith.constant 0 : i32
      %dma_start3A_118 = tpu.memref_slice %arg7[%run_scoped3A_14, %dma_start3A_116, %dma_start3A_117] : memref<4x200x128xf32, #tpu.memory_space<vmem>> -> memref<1x200x128xf32, #tpu.memory_space<vmem>>
      %dma_start3A_119 = tpu.memref_squeeze %dma_start3A_118 : memref<1x200x128xf32, #tpu.memory_space<vmem>> -> memref<200x128xf32, #tpu.memory_space<vmem>>
      tpu.enqueue_dma source(%arg8 : memref<200x128xf32, #tpu.memory_space<vmem_shared>>) target(%dma_start3A_119 : memref<200x128xf32, #tpu.memory_space<vmem>>) target_semaphore(%run_scoped3A_111 : memref<!tpu.dma_semaphore, #tpu.memory_space<semaphore_mem>>)
      %dma_wait3A_120 = arith.constant 0 : i32
      %dma_wait3A_121 = arith.constant 0 : i32
      %dma_wait3A_122 = tpu.memref_slice %arg7[%run_scoped3A_14, %dma_wait3A_120, %dma_wait3A_121] : memref<4x200x128xf32, #tpu.memory_space<vmem>> -> memref<1x200x128xf32, #tpu.memory_space<vmem>>
      %dma_wait3A_123 = tpu.memref_squeeze %dma_wait3A_122 : memref<1x200x128xf32, #tpu.memory_space<vmem>> -> memref<200x128xf32, #tpu.memory_space<vmem>>
      %dma_wait3A_124 = arith.constant 0 : i32
      %dma_wait3A_125 = arith.constant 0 : i32
      %dma_wait3A_126 = tpu.memref_slice %arg7[%run_scoped3A_14, %dma_wait3A_124, %dma_wait3A_125] : memref<4x200x128xf32, #tpu.memory_space<vmem>> -> memref<1x200x128xf32, #tpu.memory_space<vmem>>
      %dma_wait3A_127 = tpu.memref_squeeze %dma_wait3A_126 : memref<1x200x128xf32, #tpu.memory_space<vmem>> -> memref<200x128xf32, #tpu.memory_space<vmem>>
      tpu.wait_dma2 semaphore(%run_scoped3A_111 : memref<!tpu.dma_semaphore, #tpu.memory_space<semaphore_mem>>) src(%arg8 : memref<200x128xf32, #tpu.memory_space<vmem_shared>>) dst(%dma_wait3A_127 : memref<200x128xf32, #tpu.memory_space<vmem>>)
      tpu.yield
    }) : () -> ()
    %dma_start3A_15 = arith.constant 1 : i32
    %dma_start3A_16 = arith.constant 0 : i32
    %dma_start3A_17 = arith.constant 0 : i32
    %dma_start3A_18 = tpu.memref_slice %arg7[%dma_start3A_15, %dma_start3A_16, %dma_start3A_17] : memref<4x200x128xf32, #tpu.memory_space<vmem>> -> memref<1x200x128xf32, #tpu.memory_space<vmem>>
    %dma_start3A_19 = tpu.memref_squeeze %dma_start3A_18 : memref<1x200x128xf32, #tpu.memory_space<vmem>> -> memref<200x128xf32, #tpu.memory_space<vmem>>
    %dma_start3A_20 = arith.constant 200 : i32
    %dma_start3A_21 = tpu.memref_slice %arg6[%dma_start3A_20] : memref<6400xi32, #tpu.memory_space<vmem>> -> memref<200xi32, #tpu.memory_space<vmem>>
    %dma_start3A_22 = arith.constant 0 : i32
    %dma_start3A_23 = arith.constant 0 : i32
    %dma_start3A_24 = tpu.memref_slice %arg3[%dma_start3A_22, %dma_start3A_23] : memref<100000x128xf32, #tpu.memory_space<hbm>> -> memref<100000x128xf32, #tpu.memory_space<hbm>>
    tpu.enqueue_indirect_dma source(%dma_start3A_24 : memref<100000x128xf32, #tpu.memory_space<hbm>>) target(%dma_start3A_19 : memref<200x128xf32, #tpu.memory_space<vmem>>) offsets(%dma_start3A_21 : memref<200xi32, #tpu.memory_space<vmem>>) semaphore(%arg10 : memref<!tpu.dma_semaphore, #tpu.memory_space<semaphore_mem>>) {add = true}
    %run_scoped3A_25 = arith.constant 2 : i32
    "tpu.region"() ({
      %run_scoped3A_111 = tpu.sem_alloc : memref<!tpu.dma_semaphore, #tpu.memory_space<semaphore_mem>>
      %dma_start3A_112 = arith.constant 0 : i32
      %dma_start3A_113 = arith.constant 0 : i32
      %dma_start3A_114 = tpu.memref_slice %arg7[%run_scoped3A_25, %dma_start3A_112, %dma_start3A_113] : memref<4x200x128xf32, #tpu.memory_space<vmem>> -> memref<1x200x128xf32, #tpu.memory_space<vmem>>
      %dma_start3A_115 = tpu.memref_squeeze %dma_start3A_114 : memref<1x200x128xf32, #tpu.memory_space<vmem>> -> memref<200x128xf32, #tpu.memory_space<vmem>>
      %dma_start3A_116 = arith.constant 0 : i32
      %dma_start3A_117 = arith.constant 0 : i32
      %dma_start3A_118 = tpu.memref_slice %arg7[%run_scoped3A_25, %dma_start3A_116, %dma_start3A_117] : memref<4x200x128xf32, #tpu.memory_space<vmem>> -> memref<1x200x128xf32, #tpu.memory_space<vmem>>
      %dma_start3A_119 = tpu.memref_squeeze %dma_start3A_118 : memref<1x200x128xf32, #tpu.memory_space<vmem>> -> memref<200x128xf32, #tpu.memory_space<vmem>>
      tpu.enqueue_dma source(%arg8 : memref<200x128xf32, #tpu.memory_space<vmem_shared>>) target(%dma_start3A_119 : memref<200x128xf32, #tpu.memory_space<vmem>>) target_semaphore(%run_scoped3A_111 : memref<!tpu.dma_semaphore, #tpu.memory_space<semaphore_mem>>)
      %dma_wait3A_120 = arith.constant 0 : i32
      %dma_wait3A_121 = arith.constant 0 : i32
      %dma_wait3A_122 = tpu.memref_slice %arg7[%run_scoped3A_25, %dma_wait3A_120, %dma_wait3A_121] : memref<4x200x128xf32, #tpu.memory_space<vmem>> -> memref<1x200x128xf32, #tpu.memory_space<vmem>>
      %dma_wait3A_123 = tpu.memref_squeeze %dma_wait3A_122 : memref<1x200x128xf32, #tpu.memory_space<vmem>> -> memref<200x128xf32, #tpu.memory_space<vmem>>
      %dma_wait3A_124 = arith.constant 0 : i32
      %dma_wait3A_125 = arith.constant 0 : i32
      %dma_wait3A_126 = tpu.memref_slice %arg7[%run_scoped3A_25, %dma_wait3A_124, %dma_wait3A_125] : memref<4x200x128xf32, #tpu.memory_space<vmem>> -> memref<1x200x128xf32, #tpu.memory_space<vmem>>
      %dma_wait3A_127 = tpu.memref_squeeze %dma_wait3A_126 : memref<1x200x128xf32, #tpu.memory_space<vmem>> -> memref<200x128xf32, #tpu.memory_space<vmem>>
      tpu.wait_dma2 semaphore(%run_scoped3A_111 : memref<!tpu.dma_semaphore, #tpu.memory_space<semaphore_mem>>) src(%arg8 : memref<200x128xf32, #tpu.memory_space<vmem_shared>>) dst(%dma_wait3A_127 : memref<200x128xf32, #tpu.memory_space<vmem>>)
      tpu.yield
    }) : () -> ()
    %dma_start3A_26 = arith.constant 2 : i32
    %dma_start3A_27 = arith.constant 0 : i32
    %dma_start3A_28 = arith.constant 0 : i32
    %dma_start3A_29 = tpu.memref_slice %arg7[%dma_start3A_26, %dma_start3A_27, %dma_start3A_28] : memref<4x200x128xf32, #tpu.memory_space<vmem>> -> memref<1x200x128xf32, #tpu.memory_space<vmem>>
    %dma_start3A_30 = tpu.memref_squeeze %dma_start3A_29 : memref<1x200x128xf32, #tpu.memory_space<vmem>> -> memref<200x128xf32, #tpu.memory_space<vmem>>
    %dma_start3A_31 = arith.constant 400 : i32
    %dma_start3A_32 = tpu.memref_slice %arg6[%dma_start3A_31] : memref<6400xi32, #tpu.memory_space<vmem>> -> memref<200xi32, #tpu.memory_space<vmem>>
    %dma_start3A_33 = arith.constant 0 : i32
    %dma_start3A_34 = arith.constant 0 : i32
    %dma_start3A_35 = tpu.memref_slice %arg3[%dma_start3A_33, %dma_start3A_34] : memref<100000x128xf32, #tpu.memory_space<hbm>> -> memref<100000x128xf32, #tpu.memory_space<hbm>>
    tpu.enqueue_indirect_dma source(%dma_start3A_35 : memref<100000x128xf32, #tpu.memory_space<hbm>>) target(%dma_start3A_30 : memref<200x128xf32, #tpu.memory_space<vmem>>) offsets(%dma_start3A_32 : memref<200xi32, #tpu.memory_space<vmem>>) semaphore(%arg11 : memref<!tpu.dma_semaphore, #tpu.memory_space<semaphore_mem>>) {add = true}
    %run_scoped3A_36 = arith.constant 3 : i32
    "tpu.region"() ({
      %run_scoped3A_111 = tpu.sem_alloc : memref<!tpu.dma_semaphore, #tpu.memory_space<semaphore_mem>>
      %dma_start3A_112 = arith.constant 0 : i32
      %dma_start3A_113 = arith.constant 0 : i32
      %dma_start3A_114 = tpu.memref_slice %arg7[%run_scoped3A_36, %dma_start3A_112, %dma_start3A_113] : memref<4x200x128xf32, #tpu.memory_space<vmem>> -> memref<1x200x128xf32, #tpu.memory_space<vmem>>
      %dma_start3A_115 = tpu.memref_squeeze %dma_start3A_114 : memref<1x200x128xf32, #tpu.memory_space<vmem>> -> memref<200x128xf32, #tpu.memory_space<vmem>>
      %dma_start3A_116 = arith.constant 0 : i32
      %dma_start3A_117 = arith.constant 0 : i32
      %dma_start3A_118 = tpu.memref_slice %arg7[%run_scoped3A_36, %dma_start3A_116, %dma_start3A_117] : memref<4x200x128xf32, #tpu.memory_space<vmem>> -> memref<1x200x128xf32, #tpu.memory_space<vmem>>
      %dma_start3A_119 = tpu.memref_squeeze %dma_start3A_118 : memref<1x200x128xf32, #tpu.memory_space<vmem>> -> memref<200x128xf32, #tpu.memory_space<vmem>>
      tpu.enqueue_dma source(%arg8 : memref<200x128xf32, #tpu.memory_space<vmem_shared>>) target(%dma_start3A_119 : memref<200x128xf32, #tpu.memory_space<vmem>>) target_semaphore(%run_scoped3A_111 : memref<!tpu.dma_semaphore, #tpu.memory_space<semaphore_mem>>)
      %dma_wait3A_120 = arith.constant 0 : i32
      %dma_wait3A_121 = arith.constant 0 : i32
      %dma_wait3A_122 = tpu.memref_slice %arg7[%run_scoped3A_36, %dma_wait3A_120, %dma_wait3A_121] : memref<4x200x128xf32, #tpu.memory_space<vmem>> -> memref<1x200x128xf32, #tpu.memory_space<vmem>>
      %dma_wait3A_123 = tpu.memref_squeeze %dma_wait3A_122 : memref<1x200x128xf32, #tpu.memory_space<vmem>> -> memref<200x128xf32, #tpu.memory_space<vmem>>
      %dma_wait3A_124 = arith.constant 0 : i32
      %dma_wait3A_125 = arith.constant 0 : i32
      %dma_wait3A_126 = tpu.memref_slice %arg7[%run_scoped3A_36, %dma_wait3A_124, %dma_wait3A_125] : memref<4x200x128xf32, #tpu.memory_space<vmem>> -> memref<1x200x128xf32, #tpu.memory_space<vmem>>
      %dma_wait3A_127 = tpu.memref_squeeze %dma_wait3A_126 : memref<1x200x128xf32, #tpu.memory_space<vmem>> -> memref<200x128xf32, #tpu.memory_space<vmem>>
      tpu.wait_dma2 semaphore(%run_scoped3A_111 : memref<!tpu.dma_semaphore, #tpu.memory_space<semaphore_mem>>) src(%arg8 : memref<200x128xf32, #tpu.memory_space<vmem_shared>>) dst(%dma_wait3A_127 : memref<200x128xf32, #tpu.memory_space<vmem>>)
      tpu.yield
    }) : () -> ()
    %dma_start3A_37 = arith.constant 3 : i32
    %dma_start3A_38 = arith.constant 0 : i32
    %dma_start3A_39 = arith.constant 0 : i32
    %dma_start3A_40 = tpu.memref_slice %arg7[%dma_start3A_37, %dma_start3A_38, %dma_start3A_39] : memref<4x200x128xf32, #tpu.memory_space<vmem>> -> memref<1x200x128xf32, #tpu.memory_space<vmem>>
    %dma_start3A_41 = tpu.memref_squeeze %dma_start3A_40 : memref<1x200x128xf32, #tpu.memory_space<vmem>> -> memref<200x128xf32, #tpu.memory_space<vmem>>
    %dma_start3A_42 = arith.constant 600 : i32
    %dma_start3A_43 = tpu.memref_slice %arg6[%dma_start3A_42] : memref<6400xi32, #tpu.memory_space<vmem>> -> memref<200xi32, #tpu.memory_space<vmem>>
    %dma_start3A_44 = arith.constant 0 : i32
    %dma_start3A_45 = arith.constant 0 : i32
    %dma_start3A_46 = tpu.memref_slice %arg3[%dma_start3A_44, %dma_start3A_45] : memref<100000x128xf32, #tpu.memory_space<hbm>> -> memref<100000x128xf32, #tpu.memory_space<hbm>>
    tpu.enqueue_indirect_dma source(%dma_start3A_46 : memref<100000x128xf32, #tpu.memory_space<hbm>>) target(%dma_start3A_41 : memref<200x128xf32, #tpu.memory_space<vmem>>) offsets(%dma_start3A_43 : memref<200xi32, #tpu.memory_space<vmem>>) semaphore(%arg12 : memref<!tpu.dma_semaphore, #tpu.memory_space<semaphore_mem>>) {add = true}
    %scan3A = arith.constant 0 : i32
    %scan3A_47 = arith.constant 0 : i32
    %scan3A_48 = arith.constant 8 : i32
    %scan3A_49 = arith.addi %scan3A_47, %scan3A_48 : i32
    %scan3A_50 = arith.constant 1 : i32
    scf.for %scan3A_111 = %scan3A_47 to %scan3A_49 step %scan3A_50  : i32 {
      %mul3A_112 = arith.constant 4 : i32
      %mul3A_113 = arith.muli %mul3A_112, %scan3A_111 : i32
      %add3A_114 = arith.constant 0 : i32
      %add3A_115 = arith.addi %mul3A_113, %add3A_114 : i32
      %mul3A_116 = arith.constant 200 : i32
      %mul3A_117 = arith.muli %add3A_115, %mul3A_116 : i32
      %add3A_118 = arith.addi %mul3A_2, %mul3A_117 : i32
      %mul3A_119 = arith.constant 200 : i32
      %mul3A_120 = arith.muli %add3A_115, %mul3A_119 : i32
      %dma_wait3A_121 = arith.constant 0 : i32
      %dma_wait3A_122 = arith.constant 0 : i32
      %dma_wait3A_123 = arith.constant 0 : i32
      %dma_wait3A_124 = tpu.memref_slice %arg7[%dma_wait3A_121, %dma_wait3A_122, %dma_wait3A_123] : memref<4x200x128xf32, #tpu.memory_space<vmem>> -> memref<1x200x128xf32, #tpu.memory_space<vmem>>
      %dma_wait3A_125 = tpu.memref_squeeze %dma_wait3A_124 : memref<1x200x128xf32, #tpu.memory_space<vmem>> -> memref<200x128xf32, #tpu.memory_space<vmem>>
      %dma_wait3A_126 = tpu.memref_slice %arg6[%mul3A_120] : memref<6400xi32, #tpu.memory_space<vmem>> -> memref<200xi32, #tpu.memory_space<vmem>>
      %dma_wait3A_127 = arith.constant 0 : i32
      %dma_wait3A_128 = arith.constant 0 : i32
      %dma_wait3A_129 = tpu.memref_slice %arg3[%dma_wait3A_127, %dma_wait3A_128] : memref<100000x128xf32, #tpu.memory_space<hbm>> -> memref<100000x128xf32, #tpu.memory_space<hbm>>
      tpu.wait_indirect_dma semaphore(%arg9 : memref<!tpu.dma_semaphore, #tpu.memory_space<semaphore_mem>>) src(%dma_wait3A_129 : memref<100000x128xf32, #tpu.memory_space<hbm>>) dst(%dma_wait3A_125 : memref<200x128xf32, #tpu.memory_space<vmem>>)
      %dma_start3A_130 = arith.constant 0 : i32
      %dma_start3A_131 = arith.constant 0 : i32
      %dma_start3A_132 = arith.constant 0 : i32
      %dma_start3A_133 = tpu.memref_slice %arg7[%dma_start3A_130, %dma_start3A_131, %dma_start3A_132] : memref<4x200x128xf32, #tpu.memory_space<vmem>> -> memref<1x200x128xf32, #tpu.memory_space<vmem>>
      %dma_start3A_134 = tpu.memref_squeeze %dma_start3A_133 : memref<1x200x128xf32, #tpu.memory_space<vmem>> -> memref<200x128xf32, #tpu.memory_space<vmem>>
      %dma_start3A_135 = arith.constant 0 : i32
      %dma_start3A_136 = tpu.memref_slice %arg5[%add3A_118, %dma_start3A_135] : memref<204800x128xf32, #tpu.memory_space<hbm>> -> memref<200x128xf32, #tpu.memory_space<hbm>>
      %dma_start3A_137 = arith.constant 0 : i32
      %dma_start3A_138 = tpu.memref_slice %arg5[%add3A_118, %dma_start3A_137] : memref<204800x128xf32, #tpu.memory_space<hbm>> -> memref<200x128xf32, #tpu.memory_space<hbm>>
      %dma_start3A_139 = arith.constant 0 : i32
      %dma_start3A_140 = arith.constant 0 : i32
      %dma_start3A_141 = tpu.memref_slice %arg7[%dma_start3A_130, %dma_start3A_139, %dma_start3A_140] : memref<4x200x128xf32, #tpu.memory_space<vmem>> -> memref<1x200x128xf32, #tpu.memory_space<vmem>>
      %dma_start3A_142 = tpu.memref_squeeze %dma_start3A_141 : memref<1x200x128xf32, #tpu.memory_space<vmem>> -> memref<200x128xf32, #tpu.memory_space<vmem>>
      tpu.enqueue_dma source(%dma_start3A_142 : memref<200x128xf32, #tpu.memory_space<vmem>>) target(%dma_start3A_138 : memref<200x128xf32, #tpu.memory_space<hbm>>) target_semaphore(%arg13 : memref<!tpu.dma_semaphore, #tpu.memory_space<semaphore_mem>>)
      %sub3A = arith.constant 1 : i32
      %sub3A_143 = arith.subi %add3A_115, %sub3A : i32
      %gt3A = arith.constant 0 : i32
      %gt3A_144 = arith.cmpi sgt, %add3A_115, %gt3A : i32
      %add3A_145 = arith.constant 4 : i32
      %add3A_146 = arith.addi %sub3A_143, %add3A_145 : i32
      %lt3A = arith.constant 32 : i32
      %lt3A_147 = arith.cmpi slt, %add3A_146, %lt3A : i32
      %and3A = arith.andi %gt3A_144, %lt3A_147 : i1
      %convert_element_type3A_148 = arith.extui %and3A : i1 to i32
      %cond3A_149 = arith.constant 0 : i32
      %cond3A_150 = arith.cmpi ne, %convert_element_type3A_148, %cond3A_149 : i32
      scf.if %cond3A_150 {
        %mul3A_280 = arith.constant 200 : i32
        %mul3A_281 = arith.muli %sub3A_143, %mul3A_280 : i32
        %add3A_282 = arith.addi %mul3A_2, %mul3A_281 : i32
        %dma_wait3A_283 = arith.constant 3 : i32
        %dma_wait3A_284 = arith.constant 0 : i32
        %dma_wait3A_285 = arith.constant 0 : i32
        %dma_wait3A_286 = tpu.memref_slice %arg7[%dma_wait3A_283, %dma_wait3A_284, %dma_wait3A_285] : memref<4x200x128xf32, #tpu.memory_space<vmem>> -> memref<1x200x128xf32, #tpu.memory_space<vmem>>
        %dma_wait3A_287 = tpu.memref_squeeze %dma_wait3A_286 : memref<1x200x128xf32, #tpu.memory_space<vmem>> -> memref<200x128xf32, #tpu.memory_space<vmem>>
        %dma_wait3A_288 = arith.constant 0 : i32
        %dma_wait3A_289 = tpu.memref_slice %arg5[%add3A_282, %dma_wait3A_288] : memref<204800x128xf32, #tpu.memory_space<hbm>> -> memref<200x128xf32, #tpu.memory_space<hbm>>
        %dma_wait3A_290 = arith.constant 0 : i32
        %dma_wait3A_291 = tpu.memref_slice %arg5[%add3A_282, %dma_wait3A_290] : memref<204800x128xf32, #tpu.memory_space<hbm>> -> memref<200x128xf32, #tpu.memory_space<hbm>>
        %dma_wait3A_292 = arith.constant 0 : i32
        %dma_wait3A_293 = arith.constant 0 : i32
        %dma_wait3A_294 = tpu.memref_slice %arg7[%dma_wait3A_283, %dma_wait3A_292, %dma_wait3A_293] : memref<4x200x128xf32, #tpu.memory_space<vmem>> -> memref<1x200x128xf32, #tpu.memory_space<vmem>>
        %dma_wait3A_295 = tpu.memref_squeeze %dma_wait3A_294 : memref<1x200x128xf32, #tpu.memory_space<vmem>> -> memref<200x128xf32, #tpu.memory_space<vmem>>
        tpu.wait_dma2 semaphore(%arg16 : memref<!tpu.dma_semaphore, #tpu.memory_space<semaphore_mem>>) src(%dma_wait3A_295 : memref<200x128xf32, #tpu.memory_space<vmem>>) dst(%dma_wait3A_291 : memref<200x128xf32, #tpu.memory_space<hbm>>)
        %run_scoped3A_296 = arith.constant 3 : i32
        "tpu.region"() ({
          %run_scoped3A_310 = tpu.sem_alloc : memref<!tpu.dma_semaphore, #tpu.memory_space<semaphore_mem>>
          %dma_start3A_311 = arith.constant 0 : i32
          %dma_start3A_312 = arith.constant 0 : i32
          %dma_start3A_313 = tpu.memref_slice %arg7[%run_scoped3A_296, %dma_start3A_311, %dma_start3A_312] : memref<4x200x128xf32, #tpu.memory_space<vmem>> -> memref<1x200x128xf32, #tpu.memory_space<vmem>>
          %dma_start3A_314 = tpu.memref_squeeze %dma_start3A_313 : memref<1x200x128xf32, #tpu.memory_space<vmem>> -> memref<200x128xf32, #tpu.memory_space<vmem>>
          %dma_start3A_315 = arith.constant 0 : i32
          %dma_start3A_316 = arith.constant 0 : i32
          %dma_start3A_317 = tpu.memref_slice %arg7[%run_scoped3A_296, %dma_start3A_315, %dma_start3A_316] : memref<4x200x128xf32, #tpu.memory_space<vmem>> -> memref<1x200x128xf32, #tpu.memory_space<vmem>>
          %dma_start3A_318 = tpu.memref_squeeze %dma_start3A_317 : memref<1x200x128xf32, #tpu.memory_space<vmem>> -> memref<200x128xf32, #tpu.memory_space<vmem>>
          tpu.enqueue_dma source(%arg8 : memref<200x128xf32, #tpu.memory_space<vmem_shared>>) target(%dma_start3A_318 : memref<200x128xf32, #tpu.memory_space<vmem>>) target_semaphore(%run_scoped3A_310 : memref<!tpu.dma_semaphore, #tpu.memory_space<semaphore_mem>>)
          %dma_wait3A_319 = arith.constant 0 : i32
          %dma_wait3A_320 = arith.constant 0 : i32
          %dma_wait3A_321 = tpu.memref_slice %arg7[%run_scoped3A_296, %dma_wait3A_319, %dma_wait3A_320] : memref<4x200x128xf32, #tpu.memory_space<vmem>> -> memref<1x200x128xf32, #tpu.memory_space<vmem>>
          %dma_wait3A_322 = tpu.memref_squeeze %dma_wait3A_321 : memref<1x200x128xf32, #tpu.memory_space<vmem>> -> memref<200x128xf32, #tpu.memory_space<vmem>>
          %dma_wait3A_323 = arith.constant 0 : i32
          %dma_wait3A_324 = arith.constant 0 : i32
          %dma_wait3A_325 = tpu.memref_slice %arg7[%run_scoped3A_296, %dma_wait3A_323, %dma_wait3A_324] : memref<4x200x128xf32, #tpu.memory_space<vmem>> -> memref<1x200x128xf32, #tpu.memory_space<vmem>>
          %dma_wait3A_326 = tpu.memref_squeeze %dma_wait3A_325 : memref<1x200x128xf32, #tpu.memory_space<vmem>> -> memref<200x128xf32, #tpu.memory_space<vmem>>
          tpu.wait_dma2 semaphore(%run_scoped3A_310 : memref<!tpu.dma_semaphore, #tpu.memory_space<semaphore_mem>>) src(%arg8 : memref<200x128xf32, #tpu.memory_space<vmem_shared>>) dst(%dma_wait3A_326 : memref<200x128xf32, #tpu.memory_space<vmem>>)
          tpu.yield
        }) : () -> ()
        %add3A_297 = arith.constant 4 : i32
        %add3A_298 = arith.addi %sub3A_143, %add3A_297 : i32
        %mul3A_299 = arith.constant 200 : i32
        %mul3A_300 = arith.muli %add3A_298, %mul3A_299 : i32
        %dma_start3A_301 = arith.constant 3 : i32
        %dma_start3A_302 = arith.constant 0 : i32
        %dma_start3A_303 = arith.constant 0 : i32
        %dma_start3A_304 = tpu.memref_slice %arg7[%dma_start3A_301, %dma_start3A_302, %dma_start3A_303] : memref<4x200x128xf32, #tpu.memory_space<vmem>> -> memref<1x200x128xf32, #tpu.memory_space<vmem>>
        %dma_start3A_305 = tpu.memref_squeeze %dma_start3A_304 : memref<1x200x128xf32, #tpu.memory_space<vmem>> -> memref<200x128xf32, #tpu.memory_space<vmem>>
        %dma_start3A_306 = tpu.memref_slice %arg6[%mul3A_300] : memref<6400xi32, #tpu.memory_space<vmem>> -> memref<200xi32, #tpu.memory_space<vmem>>
        %dma_start3A_307 = arith.constant 0 : i32
        %dma_start3A_308 = arith.constant 0 : i32
        %dma_start3A_309 = tpu.memref_slice %arg3[%dma_start3A_307, %dma_start3A_308] : memref<100000x128xf32, #tpu.memory_space<hbm>> -> memref<100000x128xf32, #tpu.memory_space<hbm>>
        tpu.enqueue_indirect_dma source(%dma_start3A_309 : memref<100000x128xf32, #tpu.memory_space<hbm>>) target(%dma_start3A_305 : memref<200x128xf32, #tpu.memory_space<vmem>>) offsets(%dma_start3A_306 : memref<200xi32, #tpu.memory_space<vmem>>) semaphore(%arg12 : memref<!tpu.dma_semaphore, #tpu.memory_space<semaphore_mem>>) {add = true}
      } else {
      }
      %mul3A_151 = arith.constant 4 : i32
      %mul3A_152 = arith.muli %mul3A_151, %scan3A_111 : i32
      %add3A_153 = arith.constant 1 : i32
      %add3A_154 = arith.addi %mul3A_152, %add3A_153 : i32
      %mul3A_155 = arith.constant 200 : i32
      %mul3A_156 = arith.muli %add3A_154, %mul3A_155 : i32
      %add3A_157 = arith.addi %mul3A_2, %mul3A_156 : i32
      %mul3A_158 = arith.constant 200 : i32
      %mul3A_159 = arith.muli %add3A_154, %mul3A_158 : i32
      %dma_wait3A_160 = arith.constant 1 : i32
      %dma_wait3A_161 = arith.constant 0 : i32
      %dma_wait3A_162 = arith.constant 0 : i32
      %dma_wait3A_163 = tpu.memref_slice %arg7[%dma_wait3A_160, %dma_wait3A_161, %dma_wait3A_162] : memref<4x200x128xf32, #tpu.memory_space<vmem>> -> memref<1x200x128xf32, #tpu.memory_space<vmem>>
      %dma_wait3A_164 = tpu.memref_squeeze %dma_wait3A_163 : memref<1x200x128xf32, #tpu.memory_space<vmem>> -> memref<200x128xf32, #tpu.memory_space<vmem>>
      %dma_wait3A_165 = tpu.memref_slice %arg6[%mul3A_159] : memref<6400xi32, #tpu.memory_space<vmem>> -> memref<200xi32, #tpu.memory_space<vmem>>
      %dma_wait3A_166 = arith.constant 0 : i32
      %dma_wait3A_167 = arith.constant 0 : i32
      %dma_wait3A_168 = tpu.memref_slice %arg3[%dma_wait3A_166, %dma_wait3A_167] : memref<100000x128xf32, #tpu.memory_space<hbm>> -> memref<100000x128xf32, #tpu.memory_space<hbm>>
      tpu.wait_indirect_dma semaphore(%arg10 : memref<!tpu.dma_semaphore, #tpu.memory_space<semaphore_mem>>) src(%dma_wait3A_168 : memref<100000x128xf32, #tpu.memory_space<hbm>>) dst(%dma_wait3A_164 : memref<200x128xf32, #tpu.memory_space<vmem>>)
      %dma_start3A_169 = arith.constant 1 : i32
      %dma_start3A_170 = arith.constant 0 : i32
      %dma_start3A_171 = arith.constant 0 : i32
      %dma_start3A_172 = tpu.memref_slice %arg7[%dma_start3A_169, %dma_start3A_170, %dma_start3A_171] : memref<4x200x128xf32, #tpu.memory_space<vmem>> -> memref<1x200x128xf32, #tpu.memory_space<vmem>>
      %dma_start3A_173 = tpu.memref_squeeze %dma_start3A_172 : memref<1x200x128xf32, #tpu.memory_space<vmem>> -> memref<200x128xf32, #tpu.memory_space<vmem>>
      %dma_start3A_174 = arith.constant 0 : i32
      %dma_start3A_175 = tpu.memref_slice %arg5[%add3A_157, %dma_start3A_174] : memref<204800x128xf32, #tpu.memory_space<hbm>> -> memref<200x128xf32, #tpu.memory_space<hbm>>
      %dma_start3A_176 = arith.constant 0 : i32
      %dma_start3A_177 = tpu.memref_slice %arg5[%add3A_157, %dma_start3A_176] : memref<204800x128xf32, #tpu.memory_space<hbm>> -> memref<200x128xf32, #tpu.memory_space<hbm>>
      %dma_start3A_178 = arith.constant 0 : i32
      %dma_start3A_179 = arith.constant 0 : i32
      %dma_start3A_180 = tpu.memref_slice %arg7[%dma_start3A_169, %dma_start3A_178, %dma_start3A_179] : memref<4x200x128xf32, #tpu.memory_space<vmem>> -> memref<1x200x128xf32, #tpu.memory_space<vmem>>
      %dma_start3A_181 = tpu.memref_squeeze %dma_start3A_180 : memref<1x200x128xf32, #tpu.memory_space<vmem>> -> memref<200x128xf32, #tpu.memory_space<vmem>>
      tpu.enqueue_dma source(%dma_start3A_181 : memref<200x128xf32, #tpu.memory_space<vmem>>) target(%dma_start3A_177 : memref<200x128xf32, #tpu.memory_space<hbm>>) target_semaphore(%arg14 : memref<!tpu.dma_semaphore, #tpu.memory_space<semaphore_mem>>)
      %sub3A_182 = arith.constant 1 : i32
      %sub3A_183 = arith.subi %add3A_154, %sub3A_182 : i32
      %gt3A_184 = arith.constant 0 : i32
      %gt3A_185 = arith.cmpi sgt, %add3A_154, %gt3A_184 : i32
      %add3A_186 = arith.constant 4 : i32
      %add3A_187 = arith.addi %sub3A_183, %add3A_186 : i32
      %lt3A_188 = arith.constant 32 : i32
      %lt3A_189 = arith.cmpi slt, %add3A_187, %lt3A_188 : i32
      %and3A_190 = arith.andi %gt3A_185, %lt3A_189 : i1
      %convert_element_type3A_191 = arith.extui %and3A_190 : i1 to i32
      %cond3A_192 = arith.constant 0 : i32
      %cond3A_193 = arith.cmpi ne, %convert_element_type3A_191, %cond3A_192 : i32
      scf.if %cond3A_193 {
        %mul3A_280 = arith.constant 200 : i32
        %mul3A_281 = arith.muli %sub3A_183, %mul3A_280 : i32
        %add3A_282 = arith.addi %mul3A_2, %mul3A_281 : i32
        %dma_wait3A_283 = arith.constant 0 : i32
        %dma_wait3A_284 = arith.constant 0 : i32
        %dma_wait3A_285 = arith.constant 0 : i32
        %dma_wait3A_286 = tpu.memref_slice %arg7[%dma_wait3A_283, %dma_wait3A_284, %dma_wait3A_285] : memref<4x200x128xf32, #tpu.memory_space<vmem>> -> memref<1x200x128xf32, #tpu.memory_space<vmem>>
        %dma_wait3A_287 = tpu.memref_squeeze %dma_wait3A_286 : memref<1x200x128xf32, #tpu.memory_space<vmem>> -> memref<200x128xf32, #tpu.memory_space<vmem>>
        %dma_wait3A_288 = arith.constant 0 : i32
        %dma_wait3A_289 = tpu.memref_slice %arg5[%add3A_282, %dma_wait3A_288] : memref<204800x128xf32, #tpu.memory_space<hbm>> -> memref<200x128xf32, #tpu.memory_space<hbm>>
        %dma_wait3A_290 = arith.constant 0 : i32
        %dma_wait3A_291 = tpu.memref_slice %arg5[%add3A_282, %dma_wait3A_290] : memref<204800x128xf32, #tpu.memory_space<hbm>> -> memref<200x128xf32, #tpu.memory_space<hbm>>
        %dma_wait3A_292 = arith.constant 0 : i32
        %dma_wait3A_293 = arith.constant 0 : i32
        %dma_wait3A_294 = tpu.memref_slice %arg7[%dma_wait3A_283, %dma_wait3A_292, %dma_wait3A_293] : memref<4x200x128xf32, #tpu.memory_space<vmem>> -> memref<1x200x128xf32, #tpu.memory_space<vmem>>
        %dma_wait3A_295 = tpu.memref_squeeze %dma_wait3A_294 : memref<1x200x128xf32, #tpu.memory_space<vmem>> -> memref<200x128xf32, #tpu.memory_space<vmem>>
        tpu.wait_dma2 semaphore(%arg13 : memref<!tpu.dma_semaphore, #tpu.memory_space<semaphore_mem>>) src(%dma_wait3A_295 : memref<200x128xf32, #tpu.memory_space<vmem>>) dst(%dma_wait3A_291 : memref<200x128xf32, #tpu.memory_space<hbm>>)
        %run_scoped3A_296 = arith.constant 0 : i32
        "tpu.region"() ({
          %run_scoped3A_310 = tpu.sem_alloc : memref<!tpu.dma_semaphore, #tpu.memory_space<semaphore_mem>>
          %dma_start3A_311 = arith.constant 0 : i32
          %dma_start3A_312 = arith.constant 0 : i32
          %dma_start3A_313 = tpu.memref_slice %arg7[%run_scoped3A_296, %dma_start3A_311, %dma_start3A_312] : memref<4x200x128xf32, #tpu.memory_space<vmem>> -> memref<1x200x128xf32, #tpu.memory_space<vmem>>
          %dma_start3A_314 = tpu.memref_squeeze %dma_start3A_313 : memref<1x200x128xf32, #tpu.memory_space<vmem>> -> memref<200x128xf32, #tpu.memory_space<vmem>>
          %dma_start3A_315 = arith.constant 0 : i32
          %dma_start3A_316 = arith.constant 0 : i32
          %dma_start3A_317 = tpu.memref_slice %arg7[%run_scoped3A_296, %dma_start3A_315, %dma_start3A_316] : memref<4x200x128xf32, #tpu.memory_space<vmem>> -> memref<1x200x128xf32, #tpu.memory_space<vmem>>
          %dma_start3A_318 = tpu.memref_squeeze %dma_start3A_317 : memref<1x200x128xf32, #tpu.memory_space<vmem>> -> memref<200x128xf32, #tpu.memory_space<vmem>>
          tpu.enqueue_dma source(%arg8 : memref<200x128xf32, #tpu.memory_space<vmem_shared>>) target(%dma_start3A_318 : memref<200x128xf32, #tpu.memory_space<vmem>>) target_semaphore(%run_scoped3A_310 : memref<!tpu.dma_semaphore, #tpu.memory_space<semaphore_mem>>)
          %dma_wait3A_319 = arith.constant 0 : i32
          %dma_wait3A_320 = arith.constant 0 : i32
          %dma_wait3A_321 = tpu.memref_slice %arg7[%run_scoped3A_296, %dma_wait3A_319, %dma_wait3A_320] : memref<4x200x128xf32, #tpu.memory_space<vmem>> -> memref<1x200x128xf32, #tpu.memory_space<vmem>>
          %dma_wait3A_322 = tpu.memref_squeeze %dma_wait3A_321 : memref<1x200x128xf32, #tpu.memory_space<vmem>> -> memref<200x128xf32, #tpu.memory_space<vmem>>
          %dma_wait3A_323 = arith.constant 0 : i32
          %dma_wait3A_324 = arith.constant 0 : i32
          %dma_wait3A_325 = tpu.memref_slice %arg7[%run_scoped3A_296, %dma_wait3A_323, %dma_wait3A_324] : memref<4x200x128xf32, #tpu.memory_space<vmem>> -> memref<1x200x128xf32, #tpu.memory_space<vmem>>
          %dma_wait3A_326 = tpu.memref_squeeze %dma_wait3A_325 : memref<1x200x128xf32, #tpu.memory_space<vmem>> -> memref<200x128xf32, #tpu.memory_space<vmem>>
          tpu.wait_dma2 semaphore(%run_scoped3A_310 : memref<!tpu.dma_semaphore, #tpu.memory_space<semaphore_mem>>) src(%arg8 : memref<200x128xf32, #tpu.memory_space<vmem_shared>>) dst(%dma_wait3A_326 : memref<200x128xf32, #tpu.memory_space<vmem>>)
          tpu.yield
        }) : () -> ()
        %add3A_297 = arith.constant 4 : i32
        %add3A_298 = arith.addi %sub3A_183, %add3A_297 : i32
        %mul3A_299 = arith.constant 200 : i32
        %mul3A_300 = arith.muli %add3A_298, %mul3A_299 : i32
        %dma_start3A_301 = arith.constant 0 : i32
        %dma_start3A_302 = arith.constant 0 : i32
        %dma_start3A_303 = arith.constant 0 : i32
        %dma_start3A_304 = tpu.memref_slice %arg7[%dma_start3A_301, %dma_start3A_302, %dma_start3A_303] : memref<4x200x128xf32, #tpu.memory_space<vmem>> -> memref<1x200x128xf32, #tpu.memory_space<vmem>>
        %dma_start3A_305 = tpu.memref_squeeze %dma_start3A_304 : memref<1x200x128xf32, #tpu.memory_space<vmem>> -> memref<200x128xf32, #tpu.memory_space<vmem>>
        %dma_start3A_306 = tpu.memref_slice %arg6[%mul3A_300] : memref<6400xi32, #tpu.memory_space<vmem>> -> memref<200xi32, #tpu.memory_space<vmem>>
        %dma_start3A_307 = arith.constant 0 : i32
        %dma_start3A_308 = arith.constant 0 : i32
        %dma_start3A_309 = tpu.memref_slice %arg3[%dma_start3A_307, %dma_start3A_308] : memref<100000x128xf32, #tpu.memory_space<hbm>> -> memref<100000x128xf32, #tpu.memory_space<hbm>>
        tpu.enqueue_indirect_dma source(%dma_start3A_309 : memref<100000x128xf32, #tpu.memory_space<hbm>>) target(%dma_start3A_305 : memref<200x128xf32, #tpu.memory_space<vmem>>) offsets(%dma_start3A_306 : memref<200xi32, #tpu.memory_space<vmem>>) semaphore(%arg9 : memref<!tpu.dma_semaphore, #tpu.memory_space<semaphore_mem>>) {add = true}
      } else {
      }
      %mul3A_194 = arith.constant 4 : i32
      %mul3A_195 = arith.muli %mul3A_194, %scan3A_111 : i32
      %add3A_196 = arith.constant 2 : i32
      %add3A_197 = arith.addi %mul3A_195, %add3A_196 : i32
      %mul3A_198 = arith.constant 200 : i32
      %mul3A_199 = arith.muli %add3A_197, %mul3A_198 : i32
      %add3A_200 = arith.addi %mul3A_2, %mul3A_199 : i32
      %mul3A_201 = arith.constant 200 : i32
      %mul3A_202 = arith.muli %add3A_197, %mul3A_201 : i32
      %dma_wait3A_203 = arith.constant 2 : i32
      %dma_wait3A_204 = arith.constant 0 : i32
      %dma_wait3A_205 = arith.constant 0 : i32
      %dma_wait3A_206 = tpu.memref_slice %arg7[%dma_wait3A_203, %dma_wait3A_204, %dma_wait3A_205] : memref<4x200x128xf32, #tpu.memory_space<vmem>> -> memref<1x200x128xf32, #tpu.memory_space<vmem>>
      %dma_wait3A_207 = tpu.memref_squeeze %dma_wait3A_206 : memref<1x200x128xf32, #tpu.memory_space<vmem>> -> memref<200x128xf32, #tpu.memory_space<vmem>>
      %dma_wait3A_208 = tpu.memref_slice %arg6[%mul3A_202] : memref<6400xi32, #tpu.memory_space<vmem>> -> memref<200xi32, #tpu.memory_space<vmem>>
      %dma_wait3A_209 = arith.constant 0 : i32
      %dma_wait3A_210 = arith.constant 0 : i32
      %dma_wait3A_211 = tpu.memref_slice %arg3[%dma_wait3A_209, %dma_wait3A_210] : memref<100000x128xf32, #tpu.memory_space<hbm>> -> memref<100000x128xf32, #tpu.memory_space<hbm>>
      tpu.wait_indirect_dma semaphore(%arg11 : memref<!tpu.dma_semaphore, #tpu.memory_space<semaphore_mem>>) src(%dma_wait3A_211 : memref<100000x128xf32, #tpu.memory_space<hbm>>) dst(%dma_wait3A_207 : memref<200x128xf32, #tpu.memory_space<vmem>>)
      %dma_start3A_212 = arith.constant 2 : i32
      %dma_start3A_213 = arith.constant 0 : i32
      %dma_start3A_214 = arith.constant 0 : i32
      %dma_start3A_215 = tpu.memref_slice %arg7[%dma_start3A_212, %dma_start3A_213, %dma_start3A_214] : memref<4x200x128xf32, #tpu.memory_space<vmem>> -> memref<1x200x128xf32, #tpu.memory_space<vmem>>
      %dma_start3A_216 = tpu.memref_squeeze %dma_start3A_215 : memref<1x200x128xf32, #tpu.memory_space<vmem>> -> memref<200x128xf32, #tpu.memory_space<vmem>>
      %dma_start3A_217 = arith.constant 0 : i32
      %dma_start3A_218 = tpu.memref_slice %arg5[%add3A_200, %dma_start3A_217] : memref<204800x128xf32, #tpu.memory_space<hbm>> -> memref<200x128xf32, #tpu.memory_space<hbm>>
      %dma_start3A_219 = arith.constant 0 : i32
      %dma_start3A_220 = tpu.memref_slice %arg5[%add3A_200, %dma_start3A_219] : memref<204800x128xf32, #tpu.memory_space<hbm>> -> memref<200x128xf32, #tpu.memory_space<hbm>>
      %dma_start3A_221 = arith.constant 0 : i32
      %dma_start3A_222 = arith.constant 0 : i32
      %dma_start3A_223 = tpu.memref_slice %arg7[%dma_start3A_212, %dma_start3A_221, %dma_start3A_222] : memref<4x200x128xf32, #tpu.memory_space<vmem>> -> memref<1x200x128xf32, #tpu.memory_space<vmem>>
      %dma_start3A_224 = tpu.memref_squeeze %dma_start3A_223 : memref<1x200x128xf32, #tpu.memory_space<vmem>> -> memref<200x128xf32, #tpu.memory_space<vmem>>
      tpu.enqueue_dma source(%dma_start3A_224 : memref<200x128xf32, #tpu.memory_space<vmem>>) target(%dma_start3A_220 : memref<200x128xf32, #tpu.memory_space<hbm>>) target_semaphore(%arg15 : memref<!tpu.dma_semaphore, #tpu.memory_space<semaphore_mem>>)
      %sub3A_225 = arith.constant 1 : i32
      %sub3A_226 = arith.subi %add3A_197, %sub3A_225 : i32
      %gt3A_227 = arith.constant 0 : i32
      %gt3A_228 = arith.cmpi sgt, %add3A_197, %gt3A_227 : i32
      %add3A_229 = arith.constant 4 : i32
      %add3A_230 = arith.addi %sub3A_226, %add3A_229 : i32
      %lt3A_231 = arith.constant 32 : i32
      %lt3A_232 = arith.cmpi slt, %add3A_230, %lt3A_231 : i32
      %and3A_233 = arith.andi %gt3A_228, %lt3A_232 : i1
      %convert_element_type3A_234 = arith.extui %and3A_233 : i1 to i32
      %cond3A_235 = arith.constant 0 : i32
      %cond3A_236 = arith.cmpi ne, %convert_element_type3A_234, %cond3A_235 : i32
      scf.if %cond3A_236 {
        %mul3A_280 = arith.constant 200 : i32
        %mul3A_281 = arith.muli %sub3A_226, %mul3A_280 : i32
        %add3A_282 = arith.addi %mul3A_2, %mul3A_281 : i32
        %dma_wait3A_283 = arith.constant 1 : i32
        %dma_wait3A_284 = arith.constant 0 : i32
        %dma_wait3A_285 = arith.constant 0 : i32
        %dma_wait3A_286 = tpu.memref_slice %arg7[%dma_wait3A_283, %dma_wait3A_284, %dma_wait3A_285] : memref<4x200x128xf32, #tpu.memory_space<vmem>> -> memref<1x200x128xf32, #tpu.memory_space<vmem>>
        %dma_wait3A_287 = tpu.memref_squeeze %dma_wait3A_286 : memref<1x200x128xf32, #tpu.memory_space<vmem>> -> memref<200x128xf32, #tpu.memory_space<vmem>>
        %dma_wait3A_288 = arith.constant 0 : i32
        %dma_wait3A_289 = tpu.memref_slice %arg5[%add3A_282, %dma_wait3A_288] : memref<204800x128xf32, #tpu.memory_space<hbm>> -> memref<200x128xf32, #tpu.memory_space<hbm>>
        %dma_wait3A_290 = arith.constant 0 : i32
        %dma_wait3A_291 = tpu.memref_slice %arg5[%add3A_282, %dma_wait3A_290] : memref<204800x128xf32, #tpu.memory_space<hbm>> -> memref<200x128xf32, #tpu.memory_space<hbm>>
        %dma_wait3A_292 = arith.constant 0 : i32
        %dma_wait3A_293 = arith.constant 0 : i32
        %dma_wait3A_294 = tpu.memref_slice %arg7[%dma_wait3A_283, %dma_wait3A_292, %dma_wait3A_293] : memref<4x200x128xf32, #tpu.memory_space<vmem>> -> memref<1x200x128xf32, #tpu.memory_space<vmem>>
        %dma_wait3A_295 = tpu.memref_squeeze %dma_wait3A_294 : memref<1x200x128xf32, #tpu.memory_space<vmem>> -> memref<200x128xf32, #tpu.memory_space<vmem>>
        tpu.wait_dma2 semaphore(%arg14 : memref<!tpu.dma_semaphore, #tpu.memory_space<semaphore_mem>>) src(%dma_wait3A_295 : memref<200x128xf32, #tpu.memory_space<vmem>>) dst(%dma_wait3A_291 : memref<200x128xf32, #tpu.memory_space<hbm>>)
        %run_scoped3A_296 = arith.constant 1 : i32
        "tpu.region"() ({
          %run_scoped3A_310 = tpu.sem_alloc : memref<!tpu.dma_semaphore, #tpu.memory_space<semaphore_mem>>
          %dma_start3A_311 = arith.constant 0 : i32
          %dma_start3A_312 = arith.constant 0 : i32
          %dma_start3A_313 = tpu.memref_slice %arg7[%run_scoped3A_296, %dma_start3A_311, %dma_start3A_312] : memref<4x200x128xf32, #tpu.memory_space<vmem>> -> memref<1x200x128xf32, #tpu.memory_space<vmem>>
          %dma_start3A_314 = tpu.memref_squeeze %dma_start3A_313 : memref<1x200x128xf32, #tpu.memory_space<vmem>> -> memref<200x128xf32, #tpu.memory_space<vmem>>
          %dma_start3A_315 = arith.constant 0 : i32
          %dma_start3A_316 = arith.constant 0 : i32
          %dma_start3A_317 = tpu.memref_slice %arg7[%run_scoped3A_296, %dma_start3A_315, %dma_start3A_316] : memref<4x200x128xf32, #tpu.memory_space<vmem>> -> memref<1x200x128xf32, #tpu.memory_space<vmem>>
          %dma_start3A_318 = tpu.memref_squeeze %dma_start3A_317 : memref<1x200x128xf32, #tpu.memory_space<vmem>> -> memref<200x128xf32, #tpu.memory_space<vmem>>
          tpu.enqueue_dma source(%arg8 : memref<200x128xf32, #tpu.memory_space<vmem_shared>>) target(%dma_start3A_318 : memref<200x128xf32, #tpu.memory_space<vmem>>) target_semaphore(%run_scoped3A_310 : memref<!tpu.dma_semaphore, #tpu.memory_space<semaphore_mem>>)
          %dma_wait3A_319 = arith.constant 0 : i32
          %dma_wait3A_320 = arith.constant 0 : i32
          %dma_wait3A_321 = tpu.memref_slice %arg7[%run_scoped3A_296, %dma_wait3A_319, %dma_wait3A_320] : memref<4x200x128xf32, #tpu.memory_space<vmem>> -> memref<1x200x128xf32, #tpu.memory_space<vmem>>
          %dma_wait3A_322 = tpu.memref_squeeze %dma_wait3A_321 : memref<1x200x128xf32, #tpu.memory_space<vmem>> -> memref<200x128xf32, #tpu.memory_space<vmem>>
          %dma_wait3A_323 = arith.constant 0 : i32
          %dma_wait3A_324 = arith.constant 0 : i32
          %dma_wait3A_325 = tpu.memref_slice %arg7[%run_scoped3A_296, %dma_wait3A_323, %dma_wait3A_324] : memref<4x200x128xf32, #tpu.memory_space<vmem>> -> memref<1x200x128xf32, #tpu.memory_space<vmem>>
          %dma_wait3A_326 = tpu.memref_squeeze %dma_wait3A_325 : memref<1x200x128xf32, #tpu.memory_space<vmem>> -> memref<200x128xf32, #tpu.memory_space<vmem>>
          tpu.wait_dma2 semaphore(%run_scoped3A_310 : memref<!tpu.dma_semaphore, #tpu.memory_space<semaphore_mem>>) src(%arg8 : memref<200x128xf32, #tpu.memory_space<vmem_shared>>) dst(%dma_wait3A_326 : memref<200x128xf32, #tpu.memory_space<vmem>>)
          tpu.yield
        }) : () -> ()
        %add3A_297 = arith.constant 4 : i32
        %add3A_298 = arith.addi %sub3A_226, %add3A_297 : i32
        %mul3A_299 = arith.constant 200 : i32
        %mul3A_300 = arith.muli %add3A_298, %mul3A_299 : i32
        %dma_start3A_301 = arith.constant 1 : i32
        %dma_start3A_302 = arith.constant 0 : i32
        %dma_start3A_303 = arith.constant 0 : i32
        %dma_start3A_304 = tpu.memref_slice %arg7[%dma_start3A_301, %dma_start3A_302, %dma_start3A_303] : memref<4x200x128xf32, #tpu.memory_space<vmem>> -> memref<1x200x128xf32, #tpu.memory_space<vmem>>
        %dma_start3A_305 = tpu.memref_squeeze %dma_start3A_304 : memref<1x200x128xf32, #tpu.memory_space<vmem>> -> memref<200x128xf32, #tpu.memory_space<vmem>>
        %dma_start3A_306 = tpu.memref_slice %arg6[%mul3A_300] : memref<6400xi32, #tpu.memory_space<vmem>> -> memref<200xi32, #tpu.memory_space<vmem>>
        %dma_start3A_307 = arith.constant 0 : i32
        %dma_start3A_308 = arith.constant 0 : i32
        %dma_start3A_309 = tpu.memref_slice %arg3[%dma_start3A_307, %dma_start3A_308] : memref<100000x128xf32, #tpu.memory_space<hbm>> -> memref<100000x128xf32, #tpu.memory_space<hbm>>
        tpu.enqueue_indirect_dma source(%dma_start3A_309 : memref<100000x128xf32, #tpu.memory_space<hbm>>) target(%dma_start3A_305 : memref<200x128xf32, #tpu.memory_space<vmem>>) offsets(%dma_start3A_306 : memref<200xi32, #tpu.memory_space<vmem>>) semaphore(%arg10 : memref<!tpu.dma_semaphore, #tpu.memory_space<semaphore_mem>>) {add = true}
      } else {
      }
      %mul3A_237 = arith.constant 4 : i32
      %mul3A_238 = arith.muli %mul3A_237, %scan3A_111 : i32
      %add3A_239 = arith.constant 3 : i32
      %add3A_240 = arith.addi %mul3A_238, %add3A_239 : i32
      %mul3A_241 = arith.constant 200 : i32
      %mul3A_242 = arith.muli %add3A_240, %mul3A_241 : i32
      %add3A_243 = arith.addi %mul3A_2, %mul3A_242 : i32
      %mul3A_244 = arith.constant 200 : i32
      %mul3A_245 = arith.muli %add3A_240, %mul3A_244 : i32
      %dma_wait3A_246 = arith.constant 3 : i32
      %dma_wait3A_247 = arith.constant 0 : i32
      %dma_wait3A_248 = arith.constant 0 : i32
      %dma_wait3A_249 = tpu.memref_slice %arg7[%dma_wait3A_246, %dma_wait3A_247, %dma_wait3A_248] : memref<4x200x128xf32, #tpu.memory_space<vmem>> -> memref<1x200x128xf32, #tpu.memory_space<vmem>>
      %dma_wait3A_250 = tpu.memref_squeeze %dma_wait3A_249 : memref<1x200x128xf32, #tpu.memory_space<vmem>> -> memref<200x128xf32, #tpu.memory_space<vmem>>
      %dma_wait3A_251 = tpu.memref_slice %arg6[%mul3A_245] : memref<6400xi32, #tpu.memory_space<vmem>> -> memref<200xi32, #tpu.memory_space<vmem>>
      %dma_wait3A_252 = arith.constant 0 : i32
      %dma_wait3A_253 = arith.constant 0 : i32
      %dma_wait3A_254 = tpu.memref_slice %arg3[%dma_wait3A_252, %dma_wait3A_253] : memref<100000x128xf32, #tpu.memory_space<hbm>> -> memref<100000x128xf32, #tpu.memory_space<hbm>>
      tpu.wait_indirect_dma semaphore(%arg12 : memref<!tpu.dma_semaphore, #tpu.memory_space<semaphore_mem>>) src(%dma_wait3A_254 : memref<100000x128xf32, #tpu.memory_space<hbm>>) dst(%dma_wait3A_250 : memref<200x128xf32, #tpu.memory_space<vmem>>)
      %dma_start3A_255 = arith.constant 3 : i32
      %dma_start3A_256 = arith.constant 0 : i32
      %dma_start3A_257 = arith.constant 0 : i32
      %dma_start3A_258 = tpu.memref_slice %arg7[%dma_start3A_255, %dma_start3A_256, %dma_start3A_257] : memref<4x200x128xf32, #tpu.memory_space<vmem>> -> memref<1x200x128xf32, #tpu.memory_space<vmem>>
      %dma_start3A_259 = tpu.memref_squeeze %dma_start3A_258 : memref<1x200x128xf32, #tpu.memory_space<vmem>> -> memref<200x128xf32, #tpu.memory_space<vmem>>
      %dma_start3A_260 = arith.constant 0 : i32
      %dma_start3A_261 = tpu.memref_slice %arg5[%add3A_243, %dma_start3A_260] : memref<204800x128xf32, #tpu.memory_space<hbm>> -> memref<200x128xf32, #tpu.memory_space<hbm>>
      %dma_start3A_262 = arith.constant 0 : i32
      %dma_start3A_263 = tpu.memref_slice %arg5[%add3A_243, %dma_start3A_262] : memref<204800x128xf32, #tpu.memory_space<hbm>> -> memref<200x128xf32, #tpu.memory_space<hbm>>
      %dma_start3A_264 = arith.constant 0 : i32
      %dma_start3A_265 = arith.constant 0 : i32
      %dma_start3A_266 = tpu.memref_slice %arg7[%dma_start3A_255, %dma_start3A_264, %dma_start3A_265] : memref<4x200x128xf32, #tpu.memory_space<vmem>> -> memref<1x200x128xf32, #tpu.memory_space<vmem>>
      %dma_start3A_267 = tpu.memref_squeeze %dma_start3A_266 : memref<1x200x128xf32, #tpu.memory_space<vmem>> -> memref<200x128xf32, #tpu.memory_space<vmem>>
      tpu.enqueue_dma source(%dma_start3A_267 : memref<200x128xf32, #tpu.memory_space<vmem>>) target(%dma_start3A_263 : memref<200x128xf32, #tpu.memory_space<hbm>>) target_semaphore(%arg16 : memref<!tpu.dma_semaphore, #tpu.memory_space<semaphore_mem>>)
      %sub3A_268 = arith.constant 1 : i32
      %sub3A_269 = arith.subi %add3A_240, %sub3A_268 : i32
      %gt3A_270 = arith.constant 0 : i32
      %gt3A_271 = arith.cmpi sgt, %add3A_240, %gt3A_270 : i32
      %add3A_272 = arith.constant 4 : i32
      %add3A_273 = arith.addi %sub3A_269, %add3A_272 : i32
      %lt3A_274 = arith.constant 32 : i32
      %lt3A_275 = arith.cmpi slt, %add3A_273, %lt3A_274 : i32
      %and3A_276 = arith.andi %gt3A_271, %lt3A_275 : i1
      %convert_element_type3A_277 = arith.extui %and3A_276 : i1 to i32
      %cond3A_278 = arith.constant 0 : i32
      %cond3A_279 = arith.cmpi ne, %convert_element_type3A_277, %cond3A_278 : i32
      scf.if %cond3A_279 {
        %mul3A_280 = arith.constant 200 : i32
        %mul3A_281 = arith.muli %sub3A_269, %mul3A_280 : i32
        %add3A_282 = arith.addi %mul3A_2, %mul3A_281 : i32
        %dma_wait3A_283 = arith.constant 2 : i32
        %dma_wait3A_284 = arith.constant 0 : i32
        %dma_wait3A_285 = arith.constant 0 : i32
        %dma_wait3A_286 = tpu.memref_slice %arg7[%dma_wait3A_283, %dma_wait3A_284, %dma_wait3A_285] : memref<4x200x128xf32, #tpu.memory_space<vmem>> -> memref<1x200x128xf32, #tpu.memory_space<vmem>>
        %dma_wait3A_287 = tpu.memref_squeeze %dma_wait3A_286 : memref<1x200x128xf32, #tpu.memory_space<vmem>> -> memref<200x128xf32, #tpu.memory_space<vmem>>
        %dma_wait3A_288 = arith.constant 0 : i32
        %dma_wait3A_289 = tpu.memref_slice %arg5[%add3A_282, %dma_wait3A_288] : memref<204800x128xf32, #tpu.memory_space<hbm>> -> memref<200x128xf32, #tpu.memory_space<hbm>>
        %dma_wait3A_290 = arith.constant 0 : i32
        %dma_wait3A_291 = tpu.memref_slice %arg5[%add3A_282, %dma_wait3A_290] : memref<204800x128xf32, #tpu.memory_space<hbm>> -> memref<200x128xf32, #tpu.memory_space<hbm>>
        %dma_wait3A_292 = arith.constant 0 : i32
        %dma_wait3A_293 = arith.constant 0 : i32
        %dma_wait3A_294 = tpu.memref_slice %arg7[%dma_wait3A_283, %dma_wait3A_292, %dma_wait3A_293] : memref<4x200x128xf32, #tpu.memory_space<vmem>> -> memref<1x200x128xf32, #tpu.memory_space<vmem>>
        %dma_wait3A_295 = tpu.memref_squeeze %dma_wait3A_294 : memref<1x200x128xf32, #tpu.memory_space<vmem>> -> memref<200x128xf32, #tpu.memory_space<vmem>>
        tpu.wait_dma2 semaphore(%arg15 : memref<!tpu.dma_semaphore, #tpu.memory_space<semaphore_mem>>) src(%dma_wait3A_295 : memref<200x128xf32, #tpu.memory_space<vmem>>) dst(%dma_wait3A_291 : memref<200x128xf32, #tpu.memory_space<hbm>>)
        %run_scoped3A_296 = arith.constant 2 : i32
        "tpu.region"() ({
          %run_scoped3A_310 = tpu.sem_alloc : memref<!tpu.dma_semaphore, #tpu.memory_space<semaphore_mem>>
          %dma_start3A_311 = arith.constant 0 : i32
          %dma_start3A_312 = arith.constant 0 : i32
          %dma_start3A_313 = tpu.memref_slice %arg7[%run_scoped3A_296, %dma_start3A_311, %dma_start3A_312] : memref<4x200x128xf32, #tpu.memory_space<vmem>> -> memref<1x200x128xf32, #tpu.memory_space<vmem>>
          %dma_start3A_314 = tpu.memref_squeeze %dma_start3A_313 : memref<1x200x128xf32, #tpu.memory_space<vmem>> -> memref<200x128xf32, #tpu.memory_space<vmem>>
          %dma_start3A_315 = arith.constant 0 : i32
          %dma_start3A_316 = arith.constant 0 : i32
          %dma_start3A_317 = tpu.memref_slice %arg7[%run_scoped3A_296, %dma_start3A_315, %dma_start3A_316] : memref<4x200x128xf32, #tpu.memory_space<vmem>> -> memref<1x200x128xf32, #tpu.memory_space<vmem>>
          %dma_start3A_318 = tpu.memref_squeeze %dma_start3A_317 : memref<1x200x128xf32, #tpu.memory_space<vmem>> -> memref<200x128xf32, #tpu.memory_space<vmem>>
          tpu.enqueue_dma source(%arg8 : memref<200x128xf32, #tpu.memory_space<vmem_shared>>) target(%dma_start3A_318 : memref<200x128xf32, #tpu.memory_space<vmem>>) target_semaphore(%run_scoped3A_310 : memref<!tpu.dma_semaphore, #tpu.memory_space<semaphore_mem>>)
          %dma_wait3A_319 = arith.constant 0 : i32
          %dma_wait3A_320 = arith.constant 0 : i32
          %dma_wait3A_321 = tpu.memref_slice %arg7[%run_scoped3A_296, %dma_wait3A_319, %dma_wait3A_320] : memref<4x200x128xf32, #tpu.memory_space<vmem>> -> memref<1x200x128xf32, #tpu.memory_space<vmem>>
          %dma_wait3A_322 = tpu.memref_squeeze %dma_wait3A_321 : memref<1x200x128xf32, #tpu.memory_space<vmem>> -> memref<200x128xf32, #tpu.memory_space<vmem>>
          %dma_wait3A_323 = arith.constant 0 : i32
          %dma_wait3A_324 = arith.constant 0 : i32
          %dma_wait3A_325 = tpu.memref_slice %arg7[%run_scoped3A_296, %dma_wait3A_323, %dma_wait3A_324] : memref<4x200x128xf32, #tpu.memory_space<vmem>> -> memref<1x200x128xf32, #tpu.memory_space<vmem>>
          %dma_wait3A_326 = tpu.memref_squeeze %dma_wait3A_325 : memref<1x200x128xf32, #tpu.memory_space<vmem>> -> memref<200x128xf32, #tpu.memory_space<vmem>>
          tpu.wait_dma2 semaphore(%run_scoped3A_310 : memref<!tpu.dma_semaphore, #tpu.memory_space<semaphore_mem>>) src(%arg8 : memref<200x128xf32, #tpu.memory_space<vmem_shared>>) dst(%dma_wait3A_326 : memref<200x128xf32, #tpu.memory_space<vmem>>)
          tpu.yield
        }) : () -> ()
        %add3A_297 = arith.constant 4 : i32
        %add3A_298 = arith.addi %sub3A_269, %add3A_297 : i32
        %mul3A_299 = arith.constant 200 : i32
        %mul3A_300 = arith.muli %add3A_298, %mul3A_299 : i32
        %dma_start3A_301 = arith.constant 2 : i32
        %dma_start3A_302 = arith.constant 0 : i32
        %dma_start3A_303 = arith.constant 0 : i32
        %dma_start3A_304 = tpu.memref_slice %arg7[%dma_start3A_301, %dma_start3A_302, %dma_start3A_303] : memref<4x200x128xf32, #tpu.memory_space<vmem>> -> memref<1x200x128xf32, #tpu.memory_space<vmem>>
        %dma_start3A_305 = tpu.memref_squeeze %dma_start3A_304 : memref<1x200x128xf32, #tpu.memory_space<vmem>> -> memref<200x128xf32, #tpu.memory_space<vmem>>
        %dma_start3A_306 = tpu.memref_slice %arg6[%mul3A_300] : memref<6400xi32, #tpu.memory_space<vmem>> -> memref<200xi32, #tpu.memory_space<vmem>>
        %dma_start3A_307 = arith.constant 0 : i32
        %dma_start3A_308 = arith.constant 0 : i32
        %dma_start3A_309 = tpu.memref_slice %arg3[%dma_start3A_307, %dma_start3A_308] : memref<100000x128xf32, #tpu.memory_space<hbm>> -> memref<100000x128xf32, #tpu.memory_space<hbm>>
        tpu.enqueue_indirect_dma source(%dma_start3A_309 : memref<100000x128xf32, #tpu.memory_space<hbm>>) target(%dma_start3A_305 : memref<200x128xf32, #tpu.memory_space<vmem>>) offsets(%dma_start3A_306 : memref<200xi32, #tpu.memory_space<vmem>>) semaphore(%arg11 : memref<!tpu.dma_semaphore, #tpu.memory_space<semaphore_mem>>) {add = true}
      } else {
      }
    }
    %scan3A_51 = arith.constant 8 : i32
    %add3A_52 = arith.constant 5600 : i32
    %add3A_53 = arith.addi %mul3A_2, %add3A_52 : i32
    %dma_wait3A = arith.constant 0 : i32
    %dma_wait3A_54 = arith.constant 0 : i32
    %dma_wait3A_55 = arith.constant 0 : i32
    %dma_wait3A_56 = tpu.memref_slice %arg7[%dma_wait3A, %dma_wait3A_54, %dma_wait3A_55] : memref<4x200x128xf32, #tpu.memory_space<vmem>> -> memref<1x200x128xf32, #tpu.memory_space<vmem>>
    %dma_wait3A_57 = tpu.memref_squeeze %dma_wait3A_56 : memref<1x200x128xf32, #tpu.memory_space<vmem>> -> memref<200x128xf32, #tpu.memory_space<vmem>>
    %dma_wait3A_58 = arith.constant 0 : i32
    %dma_wait3A_59 = tpu.memref_slice %arg5[%add3A_53, %dma_wait3A_58] : memref<204800x128xf32, #tpu.memory_space<hbm>> -> memref<200x128xf32, #tpu.memory_space<hbm>>
    %dma_wait3A_60 = arith.constant 0 : i32
    %dma_wait3A_61 = tpu.memref_slice %arg5[%add3A_53, %dma_wait3A_60] : memref<204800x128xf32, #tpu.memory_space<hbm>> -> memref<200x128xf32, #tpu.memory_space<hbm>>
    %dma_wait3A_62 = arith.constant 0 : i32
    %dma_wait3A_63 = arith.constant 0 : i32
    %dma_wait3A_64 = tpu.memref_slice %arg7[%dma_wait3A, %dma_wait3A_62, %dma_wait3A_63] : memref<4x200x128xf32, #tpu.memory_space<vmem>> -> memref<1x200x128xf32, #tpu.memory_space<vmem>>
    %dma_wait3A_65 = tpu.memref_squeeze %dma_wait3A_64 : memref<1x200x128xf32, #tpu.memory_space<vmem>> -> memref<200x128xf32, #tpu.memory_space<vmem>>
    tpu.wait_dma2 semaphore(%arg13 : memref<!tpu.dma_semaphore, #tpu.memory_space<semaphore_mem>>) src(%dma_wait3A_65 : memref<200x128xf32, #tpu.memory_space<vmem>>) dst(%dma_wait3A_61 : memref<200x128xf32, #tpu.memory_space<hbm>>)
    %add3A_66 = arith.constant 5800 : i32
    %add3A_67 = arith.addi %mul3A_2, %add3A_66 : i32
    %dma_wait3A_68 = arith.constant 1 : i32
    %dma_wait3A_69 = arith.constant 0 : i32
    %dma_wait3A_70 = arith.constant 0 : i32
    %dma_wait3A_71 = tpu.memref_slice %arg7[%dma_wait3A_68, %dma_wait3A_69, %dma_wait3A_70] : memref<4x200x128xf32, #tpu.memory_space<vmem>> -> memref<1x200x128xf32, #tpu.memory_space<vmem>>
    %dma_wait3A_72 = tpu.memref_squeeze %dma_wait3A_71 : memref<1x200x128xf32, #tpu.memory_space<vmem>> -> memref<200x128xf32, #tpu.memory_space<vmem>>
    %dma_wait3A_73 = arith.constant 0 : i32
    %dma_wait3A_74 = tpu.memref_slice %arg5[%add3A_67, %dma_wait3A_73] : memref<204800x128xf32, #tpu.memory_space<hbm>> -> memref<200x128xf32, #tpu.memory_space<hbm>>
    %dma_wait3A_75 = arith.constant 0 : i32
    %dma_wait3A_76 = tpu.memref_slice %arg5[%add3A_67, %dma_wait3A_75] : memref<204800x128xf32, #tpu.memory_space<hbm>> -> memref<200x128xf32, #tpu.memory_space<hbm>>
    %dma_wait3A_77 = arith.constant 0 : i32
    %dma_wait3A_78 = arith.constant 0 : i32
    %dma_wait3A_79 = tpu.memref_slice %arg7[%dma_wait3A_68, %dma_wait3A_77, %dma_wait3A_78] : memref<4x200x128xf32, #tpu.memory_space<vmem>> -> memref<1x200x128xf32, #tpu.memory_space<vmem>>
    %dma_wait3A_80 = tpu.memref_squeeze %dma_wait3A_79 : memref<1x200x128xf32, #tpu.memory_space<vmem>> -> memref<200x128xf32, #tpu.memory_space<vmem>>
    tpu.wait_dma2 semaphore(%arg14 : memref<!tpu.dma_semaphore, #tpu.memory_space<semaphore_mem>>) src(%dma_wait3A_80 : memref<200x128xf32, #tpu.memory_space<vmem>>) dst(%dma_wait3A_76 : memref<200x128xf32, #tpu.memory_space<hbm>>)
    %add3A_81 = arith.constant 6000 : i32
    %add3A_82 = arith.addi %mul3A_2, %add3A_81 : i32
    %dma_wait3A_83 = arith.constant 2 : i32
    %dma_wait3A_84 = arith.constant 0 : i32
    %dma_wait3A_85 = arith.constant 0 : i32
    %dma_wait3A_86 = tpu.memref_slice %arg7[%dma_wait3A_83, %dma_wait3A_84, %dma_wait3A_85] : memref<4x200x128xf32, #tpu.memory_space<vmem>> -> memref<1x200x128xf32, #tpu.memory_space<vmem>>
    %dma_wait3A_87 = tpu.memref_squeeze %dma_wait3A_86 : memref<1x200x128xf32, #tpu.memory_space<vmem>> -> memref<200x128xf32, #tpu.memory_space<vmem>>
    %dma_wait3A_88 = arith.constant 0 : i32
    %dma_wait3A_89 = tpu.memref_slice %arg5[%add3A_82, %dma_wait3A_88] : memref<204800x128xf32, #tpu.memory_space<hbm>> -> memref<200x128xf32, #tpu.memory_space<hbm>>
    %dma_wait3A_90 = arith.constant 0 : i32
    %dma_wait3A_91 = tpu.memref_slice %arg5[%add3A_82, %dma_wait3A_90] : memref<204800x128xf32, #tpu.memory_space<hbm>> -> memref<200x128xf32, #tpu.memory_space<hbm>>
    %dma_wait3A_92 = arith.constant 0 : i32
    %dma_wait3A_93 = arith.constant 0 : i32
    %dma_wait3A_94 = tpu.memref_slice %arg7[%dma_wait3A_83, %dma_wait3A_92, %dma_wait3A_93] : memref<4x200x128xf32, #tpu.memory_space<vmem>> -> memref<1x200x128xf32, #tpu.memory_space<vmem>>
    %dma_wait3A_95 = tpu.memref_squeeze %dma_wait3A_94 : memref<1x200x128xf32, #tpu.memory_space<vmem>> -> memref<200x128xf32, #tpu.memory_space<vmem>>
    tpu.wait_dma2 semaphore(%arg15 : memref<!tpu.dma_semaphore, #tpu.memory_space<semaphore_mem>>) src(%dma_wait3A_95 : memref<200x128xf32, #tpu.memory_space<vmem>>) dst(%dma_wait3A_91 : memref<200x128xf32, #tpu.memory_space<hbm>>)
    %add3A_96 = arith.constant 6200 : i32
    %add3A_97 = arith.addi %mul3A_2, %add3A_96 : i32
    %dma_wait3A_98 = arith.constant 3 : i32
    %dma_wait3A_99 = arith.constant 0 : i32
    %dma_wait3A_100 = arith.constant 0 : i32
    %dma_wait3A_101 = tpu.memref_slice %arg7[%dma_wait3A_98, %dma_wait3A_99, %dma_wait3A_100] : memref<4x200x128xf32, #tpu.memory_space<vmem>> -> memref<1x200x128xf32, #tpu.memory_space<vmem>>
    %dma_wait3A_102 = tpu.memref_squeeze %dma_wait3A_101 : memref<1x200x128xf32, #tpu.memory_space<vmem>> -> memref<200x128xf32, #tpu.memory_space<vmem>>
    %dma_wait3A_103 = arith.constant 0 : i32
    %dma_wait3A_104 = tpu.memref_slice %arg5[%add3A_97, %dma_wait3A_103] : memref<204800x128xf32, #tpu.memory_space<hbm>> -> memref<200x128xf32, #tpu.memory_space<hbm>>
    %dma_wait3A_105 = arith.constant 0 : i32
    %dma_wait3A_106 = tpu.memref_slice %arg5[%add3A_97, %dma_wait3A_105] : memref<204800x128xf32, #tpu.memory_space<hbm>> -> memref<200x128xf32, #tpu.memory_space<hbm>>
    %dma_wait3A_107 = arith.constant 0 : i32
    %dma_wait3A_108 = arith.constant 0 : i32
    %dma_wait3A_109 = tpu.memref_slice %arg7[%dma_wait3A_98, %dma_wait3A_107, %dma_wait3A_108] : memref<4x200x128xf32, #tpu.memory_space<vmem>> -> memref<1x200x128xf32, #tpu.memory_space<vmem>>
    %dma_wait3A_110 = tpu.memref_squeeze %dma_wait3A_109 : memref<1x200x128xf32, #tpu.memory_space<vmem>> -> memref<200x128xf32, #tpu.memory_space<vmem>>
    tpu.wait_dma2 semaphore(%arg16 : memref<!tpu.dma_semaphore, #tpu.memory_space<semaphore_mem>>) src(%dma_wait3A_110 : memref<200x128xf32, #tpu.memory_space<vmem>>) dst(%dma_wait3A_106 : memref<200x128xf32, #tpu.memory_space<hbm>>)
    return
  }
}

</mosaic_0001>

<sc_bundles>
// kernel: kernel.3.cloned.1.call-start
scs
__scs_entry_jumppad:
0x0: {  	(pc) =	sbr.rel $0x88, $3  }
0x1: {  	(tag) =	ssettag $0x0;
	lr =	simm.s32 $0x1  }
0x2: {  	[smem:$0x3F9F] =	sst lr;
	_ =	strace $0xD0000000  }
0x3: {  	_ = 	snop  }
0x4: {  	_ = 	snop  }
0x5: {  	_ = 	snop  }
0x6: {  	_ = 	snop  }
0x7: {  	_ = 	snop  }
__scs_overlays_trampoline_lowered:
0x8: {  	[smem:$0x3FAE] =	sst s0  }
0x9: {  	[smem:$0x3FAF] =	sst s1  }
0xa: {  	[smem:$0x3FB0] =	sst s2  }
0xb: {  	[smem:$0x3FB1] =	sst s3  }
0xc: {  	[smem:$0x3FB2] =	sst s4  }
0xd: {  	[smem:$0x3FB3] =	sst s5  }
0xe: {  	[smem:$0x3FB4] =	sst s6  }
0xf: {  	[smem:$0x3FB5] =	sst s7  }
0x10: {  	[smem:$0x3FB6] =	sst s8  }
0x11: {  	[smem:$0x3FB7] =	sst s9;
	s0 =	simm.s32 @!p0 $0x0  }
0x12: {  	s1 =	sld [smem:$0x3F9D];
	s0 =	simm.s32 @p0 $0x1  }
0x13: {  	[smem:$0x3FB8] =	sst s0;
	s0 =	simm.s32 @!p1 $0x0  }
0x14: {  	s2 =	sld [smem:$0x3F9C];
	s0 =	simm.s32 @p1 $0x1  }
0x15: {  	[smem:$0x3FB9] =	sst s0;
	s0 =	simm.s32 @!p2 $0x0  }
0x16: {  	s3 =	sld [smem:$0x3FDB];
	s0 =	simm.s32 @p2 $0x1  }
0x17: {  	s4 =	simm.s32 $0x1BF5;
	[smem:$0x3FBB] =	sst s0  }
0x18: {  	s0 =	sld [smem:$0x3F9E];
	_ =	swait.ge [sflag:s4], $0x0  }
0x19: {  	s7 =	sld [smem:$0x3F9F]  }
0x1a: {  	s8 =	sadd.s32 $0xFFFFE003, lr  }
0x1b: {  	s9 =	sadd.s32 $0xFFFFFEF7, lr;
	s5 =	simm.s32 $0xFFFFFFFF;
	p2 =	slt.u32 s8, $0xFFFFF086  }
0x1c: {  	p1 =	slt.u32 s9, $0xF7A;
	s5 =	simm.s32 @!p2 $0x0  }
0x1d: {  	s5 =	simm.s32 @p1 $0x1;
	p0 =	seq.s32 s7, s2  }
0x1e: {  	s7 =	smul.u32 @!p0 $0xF7A, s2;
	p2 =	seq.s32 @!p0 s5, $0x0  }
0x1f: {  	s9 =	smul.u32 $0xF7A, s1;
	s8 =	simm.s32 @!p0 $0x1BF5;
	p2 =	por !p2, p0  }
0x20: {  	[sflag:s8] =	ssyncset.s32 @!p0 $0xFFFFF086;
	s6 =	sadd.s32 @!p0 s3, s7;
	s7 =	simm.s32 @!p0 $0x108  }
0x21: {  	s3 =	sadd.s32 s3, s9;
	s6 =	sadd.s32 @!p0 $0x88, s6;
	s7 =	simm.s32 @p2 $0x1082  }
0x22: {  	[simem:s7], [sflag:s8] =	dma.local @!p0 [hbm:s6], $0xF7A  }
0x23: {  	s9 =	sor.u32 $0xD0000000, s2;
	s6 =	simm.s32 $0x108;
	_ =	swait.ge @!p0 [sflag:s8], $0x0  }
0x24: {  	s3 =	sadd.s32 $0x88, s3;
	s6 =	simm.s32 @!p1 $0x1082;
	[sflag:s4] =	ssyncset.s32 $0xFFFFF086  }
0x25: {  	[simem:s6], [sflag:s4] =	dma.local [hbm:s3], $0xF7A  }
0x26: {  	[smem:$0x3F9F] =	sst s1;
	(tag) =	ssettag s2;
	_ =	strace s9  }
0x27: {  	s1 =	sld [smem:$0x3FAF]  }
0x28: {  	s2 =	sld [smem:$0x3FB0]  }
0x29: {  	s4 =	sld [smem:$0x3FB2]  }
0x2a: {  	p0 =	seq.s32 s5, $0x0;
	s5 =	sld [smem:$0x3FB3]  }
0x2b: {  	s6 =	sld [smem:$0x3FB4]  }
0x2c: {  	s7 =	sld [smem:$0x3FB5]  }
0x2d: {  	s3 =	simm.s32 $0x108;
	s8 =	sld [smem:$0x3FB6]  }
0x2e: {  	s3 =	simm.s32 @!p0 $0x1082;
	s9 =	sld [smem:$0x3FB7]  }
0x2f: {  	lr =	sadd.s32 s0, s3;
	s0 =	sld [smem:$0x3FAE]  }
0x30: {  	s3 =	sld [smem:$0x3FB1]  }
0x31: {  	[smem:$0x3FBA] =	sst s10  }
0x32: {  	s10 =	sld [smem:$0x3FB8];
	_ =	sdelay $0x3  }
0x33: {  	p0 =	seq.s32 s10, $0x1;
	s10 =	sld [smem:$0x3FBA];
	_ =	sdelay $0x3  }
0x34: {  	[smem:$0x3FBA] =	sst s10  }
0x35: {  	s10 =	sld [smem:$0x3FB9];
	_ =	sdelay $0x3  }
0x36: {  	p1 =	seq.s32 s10, $0x1;
	s10 =	sld [smem:$0x3FBA];
	_ =	sdelay $0x3  }
0x37: {  	[smem:$0x3FBA] =	sst s10  }
0x38: {  	s10 =	sld [smem:$0x3FBB]  }
0x39: {  	_ = 	snop;
	(pc) =	sbr.ind lr, $3  }
0x3a: {  	_ = 	snop  }
0x3b: {  	_ = 	snop  }
0x3c: {  	p2 =	seq.s32 s10, $0x1;
	s10 =	sld [smem:$0x3FBA]  }
0x3d: {  	_ =	shalt  }
0x3e: {  	_ =	shalt  }
0x3f: {  	_ =	shalt  }
0x40: {  	_ =	shalt  }
0x41: {  	_ =	shalt  }
0x42: {  	_ =	shalt  }
0x43: {  	_ =	shalt  }
0x44: {  	_ =	shalt  }
0x45: {  	_ =	shalt  }
0x46: {  	_ =	shalt  }
0x47: {  	_ =	shalt  }
0x48: {  	_ =	shalt  }
0x49: {  	_ =	shalt  }
0x4a: {  	_ =	shalt  }
0x4b: {  	_ =	shalt  }
0x4c: {  	_ =	shalt  }
0x4d: {  	_ =	shalt  }
0x4e: {  	_ =	shalt  }
0x4f: {  	_ =	shalt  }
0x50: {  	_ =	shalt  }
0x51: {  	_ =	shalt  }
0x52: {  	_ =	shalt  }
0x53: {  	_ =	shalt  }
0x54: {  	_ =	shalt  }
0x55: {  	_ =	shalt  }
0x56: {  	_ =	shalt  }
0x57: {  	_ =	shalt  }
0x58: {  	_ =	shalt  }
0x59: {  	_ =	shalt  }
0x5a: {  	_ =	shalt  }
0x5b: {  	_ =	shalt  }
0x5c: {  	_ =	shalt  }
0x5d: {  	_ =	shalt  }
0x5e: {  	_ =	shalt  }
0x5f: {  	_ =	shalt  }
0x60: {  	_ =	shalt  }
0x61: {  	_ =	shalt  }
0x62: {  	_ =	shalt  }
0x63: {  	_ =	shalt  }
0x64: {  	_ =	shalt  }
0x65: {  	_ =	shalt  }
0x66: {  	_ =	shalt  }
0x67: {  	_ =	shalt  }
0x68: {  	_ =	shalt  }
0x69: {  	_ =	shalt  }
0x6a: {  	_ =	shalt  }
0x6b: {  	_ =	shalt  }
0x6c: {  	_ =	shalt  }
0x6d: {  	_ =	shalt  }
0x6e: {  	_ =	shalt  }
0x6f: {  	_ =	shalt  }
0x70: {  	_ =	shalt  }
0x71: {  	_ =	shalt  }
0x72: {  	_ =	shalt  }
0x73: {  	_ =	shalt  }
0x74: {  	_ =	shalt  }
0x75: {  	_ =	shalt  }
0x76: {  	_ =	shalt  }
0x77: {  	_ =	shalt  }
0x78: {  	_ =	shalt  }
0x79: {  	_ =	shalt  }
0x7a: {  	_ =	shalt  }
0x7b: {  	_ =	shalt  }
0x7c: {  	_ =	shalt  }
0x7d: {  	_ =	shalt  }
0x7e: {  	_ =	shalt  }
0x7f: {  	_ =	shalt  }
0x80: {  	_ =	shalt  }
0x81: {  	_ =	shalt  }
0x82: {  	_ =	shalt  }
0x83: {  	_ =	shalt  }
0x84: {  	_ =	shalt  }
0x85: {  	_ =	shalt  }
0x86: {  	_ =	shalt  }
0x87: {  	_ =	shalt  }
.Lfunc_end0:
.L_simem_size_0:
called_computation_lowered:
.L_overlay_start_0:
0x88: {  	s2 =	sld [smem:$0x3FD9]  }
0x89: {  	s3 =	sld [smem:$0x3FFE];
	_ =	sdelay $0x1  }
0x8a: {  	s1 =	srdreg.scid  }
0x8b: {  	s0 =	sand.u32 $0x1, s1  }
0x8c: {  	s17 =	sshll.u32 s0, $0xA;
	s2 =	sadd.s32 s3, s2  }
0x8d: {  	s2 =	sadd.s32 s2, s17  }
0x8e: {  	[smem:$0x3FC6] =	sst s2  }
0x8f: {  	_ = 	snop  }
0x90: {  	s2 =	sld [smem:$0x3FC8]  }
0x91: {  	s18 =	sld [smem:$0x3FD0];
	(tm) =	ssettm $0x1  }
0x92: {  	s4 =	sld [smem:$0x3FFB];
	_ =	sdelay $0x3  }
0x93: {  	_ =	strace s4  }
0x94: {  	s4 =	sld [smem:$0x3FFC];
	_ =	sdelay $0x3  }
0x95: {  	_ =	strace s4  }
0x96: {  	s4 =	sld [smem:$0x3FFD];
	_ =	sdelay $0x3  }
0x97: {  	_ =	strace s4  }
0x98: {  	_ =	strace $0x8FFFFFFF  }
0x99: {  	s19 =	sld [smem:$0x3FDB];
	_ =	sdelay $0x1  }
0x9a: {  	s5 =	simm.s32 $_scs_section_size  }
0x9b: {  	s6 =	simm.s32 $_size__tile_overlayer_lowered;
	s7 =	simm.s32 $_tile_overlayer_lowered  }
0x9c: {  	s22 =	simm.s32 $0x1BFF;
	s21 =	sshll.u32 s7, $0x1;
	s4 =	sadd.s32 s5, s19  }
0x9d: {  	s8 =	simm.s32 $0x0;
	s20 =	sshll.u32 s6, $0x1;
	s6 =	sadd.s32 s21, s4  }
0x9e: {  	[timem:s8], [sflag:s22] =	dma.local [hbm:s6], s20  }
0x9f: {  	_ =	swait.ge [sflag:s22], s20  }
0xa0: {  	s5 =	ssub.s32 $0x0, s20;
	[sflag:s22] =	ssyncset.done $0x0  }
0xa1: {  	[sflag:s22] =	ssyncadd.s32 s5;
	_ =	sdelay $0x1  }
0xa2: {  	s23 =	simm.s32 $0x1B8B  }
0xa3: {  	_ =	swait.ge [sflag:s23], $0x1  }
0xa4: {  	[sflag:s23] =	ssyncset.done $0x0  }
0xa5: {  	s25 =	simm.s32 $0x1B8E;
	s24 =	sld [smem:$0x3FFE];
	[sflag:s23] =	ssyncadd.s32 $0xFFFFFFFF  }
0xa6: {  	s26 =	simm.s32 $execute0_lowered;
	[smem:$0x3FD2] =	sst s25  }
0xa7: {  	s6 =	sshll.u32 s26, $0x1;
	_ =	strace $0x80000046;
	[dreg:$0x1] =	wrdreg $0xFFFFFFFF  }
0xa8: {  	s28 =	simm.s32 $_size_execute0_lowered;
	s4 =	sadd.s32 s4, s6;
	[dreg:$0x0] =	wrdreg $0x0  }
0xa9: {  	s6 =	sshll.u32 s28, $0x1;
	[dreg:$0x2] =	wrdreg s4  }
0xaa: {  	[dreg:$0x3] =	wrdreg s6  }
0xab: {  	[dreg:$0x4] =	wrdreg $0xC0  }
0xac: {  	_ =	task [dreg:s8], $0x5FFFF  }
0xad: {  	[dreg:$0x1] =	wrdreg $0xFFFFFFFF  }
0xae: {  	[dreg:$0x0] =	wrdreg $0x60  }
0xaf: {  	[dreg:$0x2] =	wrdreg s24  }
0xb0: {  	[dreg:$0x3] =	wrdreg s2  }
0xb1: {  	[dreg:$0x4] =	wrdreg s18  }
0xb2: {  	[dreg:$0x5] =	wrdreg $0x1A9000  }
0xb3: {  	[dreg:$0x6] =	wrdreg $0x9  }
0xb4: {  	_ =	task.clear_ibuf [dreg:s8], $0x7FFFF;
	_ =	strace $0x90000046  }
0xb5: {  	s29 =	simm.s32 $0x9;
	_ =	strace $0x80000048  }
0xb6: {  	_ =	swait.ge [sflag:s29], $0x1  }
0xb7: {  	[sflag:s29] =	ssyncadd.s32 $0xFFFFFFFF  }
0xb8: {  	_ =	strace $0x90000048  }
0xb9: {  	_ =	sfence  }
0xba: {  	s30 =	sld [smem:$0x0];
	_ =	sdelay $0x2  }
0xbb: {  	s31 =	sshll.u32 s1, $0xD;
	s1 =	sshrl.u32 s1, $0x2  }
0xbc: {  	s3 =	sand.u32 $0x4000, s31;
	s1 =	sadd.s32 s1, s30  }
0xbd: {  	s0 =	sor.u32 s3, s0;
	s1 =	sshll.u32 s1, $0x11  }
0xbe: {  	s0 =	sor.u32 s1, s0  }
0xbf: {  	s0 =	sadd.s32 $0x8F2B, s0  }
0xc0: {  	[sflag:s0] =	ssyncadd.remote.s32 $0x1  }
0xc1: {  	_ =	sfence.sel $0xFFFF  }
0xc2: {  	[dreg:$0x0] =	wrdreg $0xFFFFFFFF;
	(pc) =	sbr.abs _section_cstart, $3  }
0xc3: {  	[dreg:$0x1] =	wrdreg $0xFFFFFFFF  }
0xc4: {  	_ =	task.clear_ibuf [dreg:s8], $0x2FFFF;
	_ =	strace $0x9FFFFFFF  }
0xc5: {  	(tm) =	ssettm $0x7FFFFFFF  }
tec
execute0_lowered:
.L_overlay_start_1:
0x0: {  	(tag) =	ssettag $0x1  }
0x1: {  	s4 =	rddreg [dreg:$0x0]  }
0x2: {  	s0 =	rddreg [dreg:$0x1];
	s1 =	srdreg.scid  }
0x3: {  	s8 =	stileid.u32;
	s7 =	rddreg [dreg:$0x2]  }
0x4: {  	s2 =	rddreg [dreg:$0x3];
	s3 =	simm.s32 $0x0;
	s13 =	simm.s32 $0x7D00  }
0x5: {  	s14 =	simm.s32 $0xE100;
	s16 =	simm.s32 $0x14500;
	s17 =	simm.s32 $0x258  }
0x6: {  	s18 =	simm.s32 $0x1;
	s19 =	simm.s32 $0x2;
	s20 =	simm.s32 $0x4  }
0x7: {  	s21 =	simm.s32 $0x5;
	s22 =	simm.s32 $0x6;
	s23 =	simm.s32 $0x7  }
0x8: {  	s24 =	simm.s32 $0x8;
	s25 =	simm.s32 $0x0;
	s6 =	sand.u32 $0x1, s1  }
0x9: {  	s26 =	sshll.u32 s8, $0x1;
	[smem:$0x7FF] =	sst s3;
	s12 =	smul.u32 $0x32000, s8  }
0xa: {  	p0 =	sne.s32 s8, $0x0;
	s5 =	sor.u32 s6, s26;
	s29 =	smul.u32 $0x19000, s6  }
0xb: {  	_ =	strace $0x80000047;
	s10 =	ssub.s32 $0x2, s6;
	s9 =	smul.u32 $0x1900, s5  }
0xc: {  	s11 =	smul.u32 $0x19000, s5;
	s28 =	sshrl.u32 s10, $0x1;
	s31 =	sadd.s32 s12, s7  }
.Ltmp0:
0xd: {  	s12 =	simm.s32 $0xC8;
	s10 =	ssub.s32 s10, s28;
	(pc) =	sbr.rel .LBB2_1-.Ltmp0, $4  }
0xe: {  	s9 =	sshrl.u32 s9, $0x3;
	s6 =	smax.u32 s10, $0x1;
	s30 =	sadd.s32 s7, s11  }
0xf: {  	s10 =	simm.s32 $0x9;
	s11 =	simm.s32 $0x1900;
	s9 =	sadd.s32 s9, s4  }
0x10: {  	s4 =	sadd.s32 $0x6800, s4;
	s5 =	sadd.s32 $0x400, s9;
	s9 =	sadd.s32 s29, s31  }
0x11: {  	s7 =	sadd.s32 $0x17700, s30;
	s8 =	sadd.s32 $0x1900, s9;
	s9 =	sshrl.u32 @!p0 s2, $0x3  }
.LBB2_4:
0x12: {  	_ =	swait.ge [sflag:s21], $0x6400  }
0x13: {  	[sflag:s21] =	ssyncset.done $0x0  }
0x14: {  	[sflag:s21] =	ssyncadd.s32 $0xFFFF9C00  }
0x15: {  	_ =	swait.ge [sflag:s22], $0x6400  }
0x16: {  	[sflag:s22] =	ssyncset.done $0x0  }
0x17: {  	s25 =	sadd.s32 $0x1, s25;
	[sflag:s22] =	ssyncadd.s32 $0xFFFF9C00  }
0x18: {  	p1 =	sne.s32 s25, s6;
	_ =	swait.ge [sflag:s23], $0x6400  }
.Ltmp1:
0x19: {  	[sflag:s23] =	ssyncset.done $0x0;
	(pc) =	sbr.rel @!p1 .LBB2_5-.Ltmp1, $4  }
0x1a: {  	[sflag:s23] =	ssyncadd.s32 $0xFFFF9C00  }
0x1b: {  	_ =	swait.ge [sflag:s24], $0x6400  }
0x1c: {  	[sflag:s24] =	ssyncset.done $0x0  }
0x1d: {  	[sflag:s24] =	ssyncadd.s32 $0xFFFF9C00  }
.LBB2_1:
0x1e: {  	s26 =	simm.s32 @!p0 $0x1C09  }
0x1f: {  	[spmem:s9], [sflag:s26] =	dma.local @!p0 [hbm:s4], $0xC80  }
0x20: {  	s26 =	simm.s32 @!p0 $0x9  }
0x21: {  	_ =	swait.ge @!p0 [sflag:s26], $0xC80  }
0x22: {  	[sflag:s26] =	ssyncset.done @!p0 $0x0  }
0x23: {  	[sflag:s26] =	ssyncadd.s32 @!p0 $0xFFFFF380  }
0x24: {  	[tilespmem:s3], [sflag:$0x9] =	stream.linear.gather [hbm4b:s5+s3], $0x1900, $0x38;
	[tilespmem:$0x1AF40] =	vst v63  }
0x25: {  	_ =	swait.ge [sflag:s10], $0x1900  }
0x26: {  	[sflag:s10] =	ssyncset.done $0x0  }
0x27: {  	[sflag:s10] =	ssyncadd.s32 $0xFFFFE700  }
0x28: {  	[bflag:$0x0] =	sbarrier.arrive $0xFFFF  }
0x29: {  	[tilespmem:s11], [sflag:$0x9] =	stream.linear.gather [spmem:s2], $0x6400, $0x38;
	[tilespmem:$0x1AF40] =	vst v63  }
0x2a: {  	_ =	swait.ge [sflag:s10], $0x6400  }
0x2b: {  	[sflag:s10] =	ssyncset.done $0x0  }
0x2c: {  	[sflag:s10] =	ssyncadd.s32 $0xFFFF9C00  }
0x2d: {  	[tilespmem:s11], [sflag:$0x1] =	stream.indirect.gather.add.f32 [hbm:s0], $0x80, s3, s12, $0xb8;
	[tilespmem:$0x1AF40] =	vst v63  }
0x2e: {  	_ = 	snop  }
0x2f: {  	[tilespmem:s13], [sflag:$0x9] =	stream.linear.gather [spmem:s2], $0x6400, $0x38;
	[tilespmem:$0x1AF40] =	vst v63  }
0x30: {  	_ =	swait.ge [sflag:s10], $0x6400  }
0x31: {  	[sflag:s10] =	ssyncset.done $0x0  }
0x32: {  	[sflag:s10] =	ssyncadd.s32 $0xFFFF9C00  }
0x33: {  	[tilespmem:s13], [sflag:$0x2] =	stream.indirect.gather.add.f32 [hbm:s0], $0x80, s12, s12, $0xb8;
	[tilespmem:$0x1AF40] =	vst v63  }
0x34: {  	_ = 	snop  }
0x35: {  	[tilespmem:s14], [sflag:$0x9] =	stream.linear.gather [spmem:s2], $0x6400, $0x38;
	[tilespmem:$0x1AF40] =	vst v63  }
0x36: {  	_ =	swait.ge [sflag:s10], $0x6400  }
0x37: {  	[sflag:s10] =	ssyncset.done $0x0  }
0x38: {  	s1 =	simm.s32 $0x190;
	[sflag:s10] =	ssyncadd.s32 $0xFFFF9C00  }
0x39: {  	[tilespmem:s14], [sflag:$0x3] =	stream.indirect.gather.add.f32 [hbm:s0], $0x80, s1, s12, $0xb8;
	[tilespmem:$0x1AF40] =	vst v63  }
0x3a: {  	_ = 	snop  }
0x3b: {  	[tilespmem:s16], [sflag:$0x9] =	stream.linear.gather [spmem:s2], $0x6400, $0x38;
	[tilespmem:$0x1AF40] =	vst v63  }
0x3c: {  	_ =	swait.ge [sflag:s10], $0x6400  }
0x3d: {  	[sflag:s10] =	ssyncset.done $0x0  }
0x3e: {  	s28 =	simm.s32 $0x0;
	s26 =	smov.u32 s8;
	[sflag:s10] =	ssyncadd.s32 $0xFFFF9C00  }
0x3f: {  	[tilespmem:s16], [sflag:$0x4] =	stream.indirect.gather.add.f32 [hbm:s0], $0x80, s17, s12, $0xb8;
	[tilespmem:$0x1AF40] =	vst v63  }
.LBB2_2:
0x40: {  	_ =	swait.ge [sflag:s18], $0x6400  }
0x41: {  	[sflag:s18] =	ssyncset.done $0x0  }
0x42: {  	s29 =	sadd.s32 $0xFFFFE700, s26;
	p1 =	seq.s32 s28, $0x0;
	[sflag:s18] =	ssyncadd.s32 $0xFFFF9C00  }
0x43: {  	[hbm4b:s29+s3] =	stream.linear.scatter [tilespmem:s11], [sflag:$0x5], $0x6400, $0x38;
	[tilespmem:$0x1AF40] =	vst v63  }
0x44: {  	s29 =	simm.s32 @!p1 $0x8  }
0x45: {  	_ =	swait.ge @!p1 [sflag:s29], $0x6400  }
0x46: {  	[sflag:s29] =	ssyncset.done @!p1 $0x0  }
0x47: {  	s30 =	simm.s32 @!p1 $0x9;
	[sflag:s29] =	ssyncadd.s32 @!p1 $0xFFFF9C00;
	s29 =	simm.s32 @!p1 $0x14500  }
0x48: {  	[tilespmem:s29], [sflag:$0x9] =	stream.linear.gather @!p1 [spmem:s2], $0x6400, $0x38;
	[tilespmem:$0x1AF40] =	vst v63  }
0x49: {  	_ =	swait.ge @!p1 [sflag:s30], $0x6400  }
0x4a: {  	s31 =	sshra.s32 @!p1 s28, $0x2;
	[sflag:s30] =	ssyncset.done @!p1 $0x0  }
0x4b: {  	[sflag:s30] =	ssyncadd.s32 @!p1 $0xFFFF9C00;
	s30 =	sadd.s32 @!p1 $0x258, s31;
	s31 =	simm.s32 @!p1 $0xC8  }
0x4c: {  	[tilespmem:s29], [sflag:$0x4] =	stream.indirect.gather.add.f32 @!p1 [hbm:s0], $0x80, s30, s31, $0xb8;
	[tilespmem:$0x1AF40] =	vst v63  }
0x4d: {  	_ =	swait.ge [sflag:s19], $0x6400  }
0x4e: {  	p1 =	seq.s32 s28, $0x5780;
	[sflag:s19] =	ssyncset.done $0x0  }
0x4f: {  	s30 =	sadd.s32 $0xFFFFF380, s26;
	s29 =	simm.s32 @p1 $0x3;
	[sflag:s19] =	ssyncadd.s32 $0xFFFF9C00  }
0x50: {  	[hbm4b:s30+s3] =	stream.linear.scatter [tilespmem:s13], [sflag:$0x6], $0x6400, $0x38;
	[tilespmem:$0x1AF40] =	vst v63  }
0x51: {  	_ =	swait.ge @p1 [sflag:s29], $0x6400  }
0x52: {  	[sflag:s29] =	ssyncset.done @p1 $0x0  }
0x53: {  	s30 =	simm.s32 @p1 $0xE100;
	[sflag:s29] =	ssyncadd.s32 @p1 $0xFFFF9C00;
	s29 =	simm.s32 @p1 $0x0  }
0x54: {  	[hbm4b:s7+s29] =	stream.linear.scatter @p1 [tilespmem:s30], [sflag:$0x7], $0x6400, $0x38;
	[tilespmem:$0x1AF40] =	vst v63  }
0x55: {  	s29 =	simm.s32 @!p1 $0x5  }
0x56: {  	_ =	swait.ge @!p1 [sflag:s29], $0x6400  }
0x57: {  	[sflag:s29] =	ssyncset.done @!p1 $0x0  }
0x58: {  	s30 =	simm.s32 @!p1 $0x9;
	[sflag:s29] =	ssyncadd.s32 @!p1 $0xFFFF9C00;
	s29 =	simm.s32 @!p1 $0x1900  }
0x59: {  	[tilespmem:s29], [sflag:$0x9] =	stream.linear.gather @!p1 [spmem:s2], $0x6400, $0x38;
	[tilespmem:$0x1AF40] =	vst v63  }
0x5a: {  	_ =	swait.ge @!p1 [sflag:s30], $0x6400  }
0x5b: {  	s31 =	sshra.s32 @!p1 s28, $0x2;
	[sflag:s30] =	ssyncset.done @!p1 $0x0  }
0x5c: {  	s15 =	simm.s32 @!p1 $0xC8;
	s1 =	sadd.s32 @!p1 $0x320, s31;
	[sflag:s30] =	ssyncadd.s32 @!p1 $0xFFFF9C00  }
0x5d: {  	[tilespmem:s29], [sflag:$0x1] =	stream.indirect.gather.add.f32 @!p1 [hbm:s0], $0x80, s1, s15, $0xb8;
	[tilespmem:$0x1AF40] =	vst v63  }
0x5e: {  	s1 =	simm.s32 @!p1 $0x3  }
0x5f: {  	_ =	swait.ge @!p1 [sflag:s1], $0x6400  }
0x60: {  	[sflag:s1] =	ssyncset.done @!p1 $0x0  }
0x61: {  	s29 =	simm.s32 @!p1 $0xE100;
	[sflag:s1] =	ssyncadd.s32 @!p1 $0xFFFF9C00;
	s1 =	simm.s32 @!p1 $0x0  }
0x62: {  	[hbm4b:s26+s1] =	stream.linear.scatter @!p1 [tilespmem:s29], [sflag:$0x7], $0x6400, $0x38;
	[tilespmem:$0x1AF40] =	vst v63  }
0x63: {  	s1 =	simm.s32 @!p1 $0x6  }
0x64: {  	_ =	swait.ge @!p1 [sflag:s1], $0x6400  }
0x65: {  	[sflag:s1] =	ssyncset.done @!p1 $0x0  }
0x66: {  	[sflag:s1] =	ssyncadd.s32 @!p1 $0xFFFF9C00;
	s1 =	simm.s32 @!p1 $0x7D00  }
0x67: {  	[tilespmem:s1], [sflag:$0x9] =	stream.linear.gather @!p1 [spmem:s2], $0x6400, $0x38;
	[tilespmem:$0x1AF40] =	vst v63  }
0x68: {  	_ =	swait.ge @!p1 [sflag:s30], $0x6400  }
0x69: {  	[sflag:s30] =	ssyncset.done @!p1 $0x0  }
0x6a: {  	s29 =	sadd.s32 @!p1 $0x3E8, s31;
	[sflag:s30] =	ssyncadd.s32 @!p1 $0xFFFF9C00  }
0x6b: {  	[tilespmem:s1], [sflag:$0x2] =	stream.indirect.gather.add.f32 @!p1 [hbm:s0], $0x80, s29, s15, $0xb8;
	[tilespmem:$0x1AF40] =	vst v63  }
.Ltmp2:
0x6c: {  	_ = 	snop;
	(pc) =	sbr.rel @p1 .LBB2_4-.Ltmp2, $4  }
0x6d: {  	_ =	swait.ge [sflag:s20], $0x6400  }
0x6e: {  	[sflag:s20] =	ssyncset.done $0x0  }
0x6f: {  	s31 =	sadd.s32 $0xC80, s26;
	[sflag:s20] =	ssyncadd.s32 $0xFFFF9C00  }
0x70: {  	[hbm4b:s31+s3] =	stream.linear.scatter [tilespmem:s16], [sflag:$0x8], $0x6400, $0x38;
	[tilespmem:$0x1AF40] =	vst v63  }
0x71: {  	_ =	swait.ge [sflag:s23], $0x6400  }
0x72: {  	[sflag:s23] =	ssyncset.done $0x0  }
0x73: {  	[sflag:s23] =	ssyncadd.s32 $0xFFFF9C00  }
0x74: {  	[tilespmem:s14], [sflag:$0x9] =	stream.linear.gather [spmem:s2], $0x6400, $0x38;
	[tilespmem:$0x1AF40] =	vst v63  }
.Ltmp3:
0x75: {  	_ = 	snop;
	(pc) =	sbr.rel .LBB2_2-.Ltmp3, $4  }
0x76: {  	_ =	swait.ge [sflag:s10], $0x6400  }
0x77: {  	s1 =	sshra.s32 s28, $0x2;
	s28 =	sadd.s32 $0xC80, s28;
	[sflag:s10] =	ssyncset.done $0x0  }
0x78: {  	s26 =	sadd.s32 $0x3200, s26;
	s1 =	sadd.s32 $0x4B0, s1;
	[sflag:s10] =	ssyncadd.s32 $0xFFFF9C00  }
0x79: {  	[tilespmem:s14], [sflag:$0x3] =	stream.indirect.gather.add.f32 [hbm:s0], $0x80, s1, s12, $0xb8;
	[tilespmem:$0x1AF40] =	vst v63  }
.LBB2_5:
0x7a: {  	_ =	sfence.sel $0x180000  }
0x7b: {  	[bflag:$0x0] =	sbarrier.arrive $0xFFFF  }
0x7c: {  	_ =	strace $0x90000047  }
0x7d: {  	[bflag:$0x2] =	sbarrier.arrive $0xFFFF  }
0x7e: {  	s0 =	rddreg [dreg:$0x4]  }
0x7f: {  	s0 =	sadd.s32 @!p0 $0x100000, s0  }
0x80: {  	[sflag:s0] =	ssyncadd.tile.s32 @!p0 $0x1;
	_ =	shalt  }
.Lfunc_end2:
_tile_overlayer_lowered:
.L_overlay_start_2:
0x81: {  	(tag) =	ssettag $0x2  }
0x82: {  	s0 =	rddreg [dreg:$0x0];
	s2 =	stileid.u32  }
0x83: {  	s1 =	rddreg [dreg:$0x1];
	p0 =	sne.s32 s2, $0x0  }
0x84: {  	s3 =	rddreg [dreg:$0x2];
	[bflag:$0x3] =	sbarrier.arrive $0xFFFF;
	s2 =	simm.s32 @!p0 $0x1C09  }
0x85: {  	[timem:s3], [sflag:s2] =	dma.local @!p0 [hbm:s0], s1  }
0x86: {  	s0 =	simm.s32 @!p0 $0x9  }
0x87: {  	_ =	swait.ge @!p0 [sflag:s0], s1  }
0x88: {  	s1 =	ssub.s32 @!p0 $0x0, s1;
	[sflag:s0] =	ssyncset.done @!p0 $0x0  }
0x89: {  	[sflag:s0] =	ssyncadd.s32 @!p0 s1  }
0x8a: {  	[bflag:$0x3] =	sbarrier.arrive $0xFFFF  }
0x8b: {  	_ =	shalt  }

</sc_bundles>
